<compile_context>
chip_gen: v7x
topology: tpu7x:2x2x1
jax: 0.10.2.dev20260603
libtpu: 0.0.44.dev20260713+nightly
codegen_flags: <defaults>
</compile_context>

<pallas_src>
import functools

import jax
import jax.numpy as jnp
from jax import lax
from jax.experimental import pallas as pl
from jax.experimental.pallas import tpu as pltpu
from jax.experimental.pallas import tpu_sc as plsc

T = 2048
D = 768
D_K = 64
D_E = 128
N_DOCS = 100000
K = 4

DOC_CHUNK = 4096
HALF = DOC_CHUNK // 4
N_CHUNKS = (N_DOCS + DOC_CHUNK - 1) // DOC_CHUNK
N_DOCS_PAD = N_CHUNKS * DOC_CHUNK

N_TILES = DOC_CHUNK // 128
NW = 32
ROWS_PER_W = (T * K) // NW
GCH = 64
N_GCH = ROWS_PER_W // GCH

TT = 256


def _qe_body(hw_ref, wq_ref, qe_ref):
    q = lax.dot_general(hw_ref[...], wq_ref[...], (((1,), (1,)), ((), ())),
                        preferred_element_type=jnp.float32)
    qn = q / jnp.maximum(jnp.sqrt(jnp.sum(q * q, axis=1, keepdims=True)), 1e-12)
    qe_ref[...] = qn.astype(jnp.bfloat16)


def _stage1_body(qe_ref, dk_ref, g1_ref):
    c = pl.program_id(0)

    @pl.when(c == 0)
    def _init():
        g1_ref[...] = jnp.zeros((T, 128), jnp.float32)

    kc = dk_ref[...]
    scale = 1.0 / jnp.maximum(jnp.sqrt(jnp.sum(kc * kc, axis=1, keepdims=True)), 1e-12)
    kn = (kc * scale).astype(jnp.bfloat16)

    def _half_top1(sim_part, tile0):
        keys = []
        for a in range(HALF // 128):
            sa = lax.bitcast_convert_type(sim_part[:, a * 128:(a + 1) * 128],
                                          jnp.int32)
            t0 = c * N_TILES + tile0
            ka = (sa | jnp.int32(0x7FF)) ^ (jnp.int32(0x7FF)
                                            ^ (jnp.int32(2047) - (t0 + a)))
            keys.append(lax.bitcast_convert_type(ka, jnp.float32))
        while len(keys) > 1:
            keys = [jnp.maximum(keys[i], keys[i + 1])
                    for i in range(0, len(keys), 2)]
        return keys[0]

    halves = []
    for h in range(DOC_CHUNK // HALF):
        sim_h = lax.dot_general(qe_ref[...], kn[h * HALF:(h + 1) * HALF, :],
                                (((1,), (1,)), ((), ())),
                                preferred_element_type=jnp.float32)
        halves.append(_half_top1(sim_h, h * (HALF // 128)))
    while len(halves) > 1:
        halves = [jnp.maximum(halves[i], halves[i + 1])
                  for i in range(0, len(halves), 2)]
    g1_ref[...] = jnp.maximum(g1_ref[...], halves[0])


def _extract_body(g1_ref, vals_ref, idx_ref):
    f1 = g1_ref[...]
    lane = lax.broadcasted_iota(jnp.int32, (T, 128), 1)
    cvals, cidxs = [], []
    for j in range(K):
        pmax = jnp.max(f1, axis=1, keepdims=True)
        pbits = lax.bitcast_convert_type(pmax, jnp.int32)
        cvals.append(lax.bitcast_convert_type(pbits & jnp.int32(-2048),
                                              jnp.float32))
        ct = jnp.int32(2047) - (pbits & jnp.int32(0x7FF))
        hit = f1 == pmax
        lpick = jnp.min(jnp.where(hit, lane, jnp.int32(128)),
                        axis=1, keepdims=True)
        cidxs.append(jnp.minimum(ct * 128 + lpick, jnp.int32(N_DOCS - 1)))
        if j < K - 1:
            f1 = jnp.where(hit & (lane == lpick), jnp.float32(-jnp.inf), f1)
    vals_ref[...] = jnp.concatenate(cvals, axis=1)
    idx_ref[...] = jnp.concatenate(cidxs, axis=1)


def _stage1(hw, wq, dk_pad):
    qe = pl.pallas_call(
        _qe_body,
        in_specs=[pl.BlockSpec((T, D_K), lambda: (0, 0)),
                  pl.BlockSpec((D_K, D_K), lambda: (0, 0))],
        out_specs=pl.BlockSpec((T, D_K), lambda: (0, 0)),
        out_shape=jax.ShapeDtypeStruct((T, D_K), jnp.bfloat16),
    )(hw, wq)
    g1 = pl.pallas_call(
        _stage1_body,
        grid=(N_CHUNKS,),
        in_specs=[
            pl.BlockSpec((T, D_K), lambda c: (0, 0)),
            pl.BlockSpec((DOC_CHUNK, D_K), lambda c: (c, 0)),
        ],
        out_specs=pl.BlockSpec((T, 128), lambda c: (0, 0)),
        out_shape=jax.ShapeDtypeStruct((T, 128), jnp.float32),
    )(qe, dk_pad)
    return pl.pallas_call(
        _extract_body,
        in_specs=[pl.BlockSpec((T, 128), lambda: (0, 0))],
        out_specs=[pl.BlockSpec((T, K), lambda: (0, 0)),
                   pl.BlockSpec((T, K), lambda: (0, 0))],
        out_shape=[
            jax.ShapeDtypeStruct((T, K), jnp.float32),
            jax.ShapeDtypeStruct((T, K), jnp.int32),
        ],
    )(g1)


def _sc_gather(idx_rs, table):
    mesh = plsc.VectorSubcoreMesh(core_axis_name="c", subcore_axis_name="s")

    @functools.partial(
        pl.kernel,
        mesh=mesh,
        out_type=jax.ShapeDtypeStruct((T * K, D), jnp.float32),
        scratch_types=[
            pltpu.VMEM((N_GCH, GCH), jnp.int32),
            pltpu.VMEM((GCH, D), jnp.float32),
            pltpu.SemaphoreType.DMA,
        ],
    )
    def k(idx_hbm, table_hbm, out_hbm, idx_v, rows_v, sem):
        wid = lax.axis_index("s") * 2 + lax.axis_index("c")
        base = wid * ROWS_PER_W
        pltpu.sync_copy(idx_hbm.at[wid], idx_v)
        for j in range(N_GCH):
            pltpu.async_copy(table_hbm.at[idx_v.at[j]], rows_v, sem).wait()
            pltpu.sync_copy(rows_v, out_hbm.at[pl.ds(base + j * GCH, GCH)])

    return k(idx_rs, table)


def _stage3_body(x_ref, g_ref, s_ref, wdoc_ref, wv_ref, bv_ref, wo_ref, bo_ref,
                 gate_ref, o_ref):
    s = s_ref[...]
    m = jnp.max(s, axis=1, keepdims=True)
    e = jnp.exp(s - m)
    w = e / jnp.sum(e, axis=1, keepdims=True)
    g = g_ref[...]
    riota = lax.broadcasted_iota(jnp.int32, (TT, TT * K), 1)
    tiota = lax.broadcasted_iota(jnp.int32, (TT, TT * K), 0)
    own = lax.shift_right_logical(riota, 2) == tiota
    w2 = jnp.zeros((TT, TT * K), jnp.float32)
    for kk in range(K):
        w2 = w2 + jnp.where(own & ((riota & 3) == kk), w[:, kk:kk + 1],
                            jnp.float32(0.0))
    r = lax.dot_general(w2, g, (((1,), (0,)), ((), ())),
                        preferred_element_type=jnp.float32)
    dc = lax.dot_general(r, wdoc_ref[...], (((1,), (1,)), ((), ())),
                         preferred_element_type=jnp.float32)
    vp = lax.dot_general(dc, wv_ref[...], (((1,), (1,)), ((), ())),
                         preferred_element_type=jnp.float32) + bv_ref[...]
    out = lax.dot_general(vp, wo_ref[...], (((1,), (1,)), ((), ())),
                          preferred_element_type=jnp.float32) + bo_ref[...]
    gate = gate_ref[0, 0]
    sig = 1.0 / (1.0 + jnp.exp(-gate))
    o_ref[...] = x_ref[...] + sig * out


def _stage3(x2, g2, top_vals, wdoc, wv, bv, wo, bo, gate2):
    return pl.pallas_call(
        _stage3_body,
        grid=(T // TT,),
        in_specs=[
            pl.BlockSpec((TT, D), lambda t: (t, 0)),
            pl.BlockSpec((TT * K, D), lambda t: (t, 0)),
            pl.BlockSpec((TT, K), lambda t: (t, 0)),
            pl.BlockSpec((D, D), lambda t: (0, 0)),
            pl.BlockSpec((D, D), lambda t: (0, 0)),
            pl.BlockSpec((1, D), lambda t: (0, 0)),
            pl.BlockSpec((D, D), lambda t: (0, 0)),
            pl.BlockSpec((1, D), lambda t: (0, 0)),
            pl.BlockSpec(memory_space=pltpu.SMEM),
        ],
        out_specs=pl.BlockSpec((TT, D), lambda t: (t, 0)),
        out_shape=jax.ShapeDtypeStruct((T, D), jnp.float32),
    )(x2, g2, top_vals, wdoc, wv, bv, wo, bo, gate2)


def kernel(x, hex_weights, doc_keys, doc_values, W_q, in_proj_w, in_proj_b,
           out_w, out_b, W_doc, gate):
    B_, T_, d = x.shape
    hw = hex_weights.reshape(T_, D_K)

    dk_pad = jnp.pad(doc_keys, ((0, N_DOCS_PAD - N_DOCS), (0, 0)))
    top_vals, top_idx = _stage1(hw, W_q, dk_pad)

    idx_rs = top_idx.reshape(NW, N_GCH, GCH)
    gathered = _sc_gather(idx_rs, doc_values)

    g2 = gathered
    wv = in_proj_w[2 * d:]
    bv = in_proj_b[2 * d:].reshape(1, d)
    bo = out_b.reshape(1, d)
    gate2 = gate.reshape(1, 1)
    y = _stage3(x.reshape(T_, d), g2, top_vals, W_doc, wv, bv, out_w, bo, gate2)
    return y.reshape(B_, T_, d)

# --- scband reference (transcript-rebuilt; emitter-appended) ---
"""Pipeline reference for scband-cross-domain-rag-46832323395755 (READ-ONLY COPY).

The authoritative reference and input builder live on the scoring server;
editing this copy changes nothing except your own understanding.
"""

import jax, jax.numpy as jnp
import numpy as np

B = 1
T = 2048
D_MODEL = 768
N_DOCS = 100000
TOP_K = 4
N_HEADS = 4


def _normalize(v):
    n = jnp.linalg.norm(v, axis=-1, keepdims=True)
    return v / jnp.maximum(n, 1e-12)


def setup_inputs(seed: int = 0) -> dict:
    key = jax.random.key(seed)
    ks = jax.random.split(key, 10)
    x = jax.random.normal(ks[0], (B, T, D_MODEL), dtype=jnp.float32)
    hex_weights = jax.random.normal(ks[1], (B, T, 64), dtype=jnp.float32)
    doc_keys = jax.random.normal(ks[2], (N_DOCS, 64), dtype=jnp.float32) * 0.1
    doc_values = jax.random.normal(ks[3], (N_DOCS, D_MODEL), dtype=jnp.float32) * 0.1
    W_q = jax.random.normal(ks[4], (64, 64), dtype=jnp.float32) * (1.0 / 8.0)
    in_proj_w = jax.random.normal(ks[5], (3 * D_MODEL, D_MODEL), dtype=jnp.float32) * 0.02
    in_proj_b = jnp.zeros((3 * D_MODEL,), dtype=jnp.float32)
    out_w = jax.random.normal(ks[6], (D_MODEL, D_MODEL), dtype=jnp.float32) * 0.02
    out_b = jnp.zeros((D_MODEL,), dtype=jnp.float32)
    W_doc = jax.random.normal(ks[7], (D_MODEL, D_MODEL), dtype=jnp.float32) * 0.02
    gate = jnp.zeros((1,), dtype=jnp.float32)
    return {"x": x, "hex_weights": hex_weights, "doc_keys": doc_keys,
            "doc_values": doc_values, "W_q": W_q, "in_proj_w": in_proj_w,
            "in_proj_b": in_proj_b, "out_w": out_w, "out_b": out_b,
            "W_doc": W_doc, "gate": gate}


def reference(x, hex_weights, doc_keys, doc_values, W_q, in_proj_w, in_proj_b,
              out_w, out_b, W_doc, gate):
    B_, T_, d = x.shape
    # retrieve
    q = hex_weights @ W_q.T
    q_norm = _normalize(q)
    k_norm = _normalize(doc_keys)
    sim = q_norm @ k_norm.T  # (B, T, N_DOCS)
    top_scores, top_idx = jax.lax.top_k(sim, TOP_K)
    # gather doc values
    idx_flat = top_idx.reshape(B_ * T_ * TOP_K)
    doc_vals = jnp.take(doc_values, idx_flat, axis=0).reshape(B_ * T_, TOP_K, d)
    attn_w = jax.nn.softmax(top_scores.reshape(B_ * T_, 1, TOP_K), axis=-1)
    retrieved = jnp.matmul(attn_w, doc_vals).reshape(B_, T_, d)
    doc_context = retrieved @ W_doc.T
    # cross attention, each token attends over a single retrieved context vector
    qx = x.reshape(B_ * T_, 1, d)
    kv = doc_context.reshape(B_ * T_, 1, d)
    q_p = qx @ in_proj_w[:d].T + in_proj_b[:d]
    k_p = kv @ in_proj_w[d:2 * d].T + in_proj_b[d:2 * d]
    v_p = kv @ in_proj_w[2 * d:].T + in_proj_b[2 * d:]
    dh = d // N_HEADS
    qh = q_p.reshape(B_ * T_, 1, N_HEADS, dh).transpose(0, 2, 1, 3)
    kh = k_p.reshape(B_ * T_, 1, N_HEADS, dh).transpose(0, 2, 1, 3)
    vh = v_p.reshape(B_ * T_, 1, N_HEADS, dh).transpose(0, 2, 1, 3)
    scores = jnp.matmul(qh, kh.transpose(0, 1, 3, 2)) / (float(dh) ** 0.5)
    attn = jax.nn.softmax(scores, axis=-1)
    oh = jnp.matmul(attn, vh).transpose(0, 2, 1, 3).reshape(B_ * T_, 1, d)
    out = oh @ out_w.T + out_b
    out = out.reshape(B_, T_, d)
    return x + jax.nn.sigmoid(gate) * out

if __name__ == "__main__":
    import jax
    _d = setup_inputs()
    print(jax.jit(kernel)(*tuple(_d.values())))

</pallas_src>

<mosaic_0001>
#map = affine_map<(d0, d1) -> (0, 0, 0)>
#map1 = affine_map<(d0, d1) -> (0, 0)>
module attributes {stable_mosaic.version = 14 : i64} {
  func.func @k(%arg0: i32, %arg1: i32, %arg2: memref<32x4x64xi32, #tpu.memory_space<hbm>>, %arg3: memref<100000x768xf32, #tpu.memory_space<hbm>>, %arg4: memref<8192x768xf32, #tpu.memory_space<hbm>>, %arg5: memref<4x64xi32, #tpu.memory_space<vmem>>, %arg6: memref<64x768xf32, #tpu.memory_space<vmem>>, %arg7: memref<!tpu.dma_semaphore, #tpu.memory_space<semaphore_mem>>) attributes {dimension_semantics = [#tpu.dimension_semantics<core_parallel>, #tpu.dimension_semantics<subcore_parallel>], iteration_bounds = array<i64: 2, 16>, scalar_prefetch = 0 : i64, scratch_operands = 3 : i64, tpu.core_type = #tpu.core_type<sc_vector_subcore>, window_params = [{transform_indices = #map}, {transform_indices = #map1}, {transform_indices = #map1}]} {
    %mul3A = arith.constant 2 : i32
    %mul3A_0 = arith.muli %arg1, %mul3A : i32
    %add3A = arith.addi %mul3A_0, %arg0 : i32
    %mul3A_1 = arith.constant 256 : i32
    %mul3A_2 = arith.muli %add3A, %mul3A_1 : i32
    "tpu.region"() ({
      %run_scoped3A = tpu.sem_alloc : memref<!tpu.dma_semaphore, #tpu.memory_space<semaphore_mem>>
      %dma_start3A_65 = arith.constant 0 : i32
      %dma_start3A_66 = arith.constant 0 : i32
      %dma_start3A_67 = tpu.memref_slice %arg2[%add3A, %dma_start3A_65, %dma_start3A_66] : memref<32x4x64xi32, #tpu.memory_space<hbm>> -> memref<1x4x64xi32, #tpu.memory_space<hbm>>
      %dma_start3A_68 = tpu.memref_squeeze %dma_start3A_67 : memref<1x4x64xi32, #tpu.memory_space<hbm>> -> memref<4x64xi32, #tpu.memory_space<hbm>>
      %dma_start3A_69 = arith.constant 0 : i32
      %dma_start3A_70 = arith.constant 0 : i32
      %dma_start3A_71 = tpu.memref_slice %arg2[%add3A, %dma_start3A_69, %dma_start3A_70] : memref<32x4x64xi32, #tpu.memory_space<hbm>> -> memref<1x4x64xi32, #tpu.memory_space<hbm>>
      %dma_start3A_72 = tpu.memref_squeeze %dma_start3A_71 : memref<1x4x64xi32, #tpu.memory_space<hbm>> -> memref<4x64xi32, #tpu.memory_space<hbm>>
      tpu.enqueue_dma source(%dma_start3A_72 : memref<4x64xi32, #tpu.memory_space<hbm>>) target(%arg5 : memref<4x64xi32, #tpu.memory_space<vmem>>) target_semaphore(%run_scoped3A : memref<!tpu.dma_semaphore, #tpu.memory_space<semaphore_mem>>)
      %dma_wait3A_73 = arith.constant 0 : i32
      %dma_wait3A_74 = arith.constant 0 : i32
      %dma_wait3A_75 = tpu.memref_slice %arg2[%add3A, %dma_wait3A_73, %dma_wait3A_74] : memref<32x4x64xi32, #tpu.memory_space<hbm>> -> memref<1x4x64xi32, #tpu.memory_space<hbm>>
      %dma_wait3A_76 = tpu.memref_squeeze %dma_wait3A_75 : memref<1x4x64xi32, #tpu.memory_space<hbm>> -> memref<4x64xi32, #tpu.memory_space<hbm>>
      %dma_wait3A_77 = arith.constant 0 : i32
      %dma_wait3A_78 = arith.constant 0 : i32
      %dma_wait3A_79 = tpu.memref_slice %arg2[%add3A, %dma_wait3A_77, %dma_wait3A_78] : memref<32x4x64xi32, #tpu.memory_space<hbm>> -> memref<1x4x64xi32, #tpu.memory_space<hbm>>
      %dma_wait3A_80 = tpu.memref_squeeze %dma_wait3A_79 : memref<1x4x64xi32, #tpu.memory_space<hbm>> -> memref<4x64xi32, #tpu.memory_space<hbm>>
      tpu.wait_dma2 semaphore(%run_scoped3A : memref<!tpu.dma_semaphore, #tpu.memory_space<semaphore_mem>>) src(%dma_wait3A_80 : memref<4x64xi32, #tpu.memory_space<hbm>>) dst(%arg5 : memref<4x64xi32, #tpu.memory_space<vmem>>)
      tpu.yield
    }) : () -> ()
    %dma_start3A = arith.constant 0 : i32
    %dma_start3A_3 = arith.constant 0 : i32
    %dma_start3A_4 = tpu.memref_slice %arg5[%dma_start3A, %dma_start3A_3] : memref<4x64xi32, #tpu.memory_space<vmem>> -> memref<1x64xi32, #tpu.memory_space<vmem>>
    %dma_start3A_5 = tpu.memref_squeeze %dma_start3A_4 : memref<1x64xi32, #tpu.memory_space<vmem>> -> memref<64xi32, #tpu.memory_space<vmem>>
    %dma_start3A_6 = arith.constant 0 : i32
    %dma_start3A_7 = arith.constant 0 : i32
    %dma_start3A_8 = tpu.memref_slice %arg3[%dma_start3A_6, %dma_start3A_7] : memref<100000x768xf32, #tpu.memory_space<hbm>> -> memref<100000x768xf32, #tpu.memory_space<hbm>>
    tpu.enqueue_indirect_dma source(%dma_start3A_8 : memref<100000x768xf32, #tpu.memory_space<hbm>>) target(%arg6 : memref<64x768xf32, #tpu.memory_space<vmem>>) offsets(%dma_start3A_5 : memref<64xi32, #tpu.memory_space<vmem>>) semaphore(%arg7 : memref<!tpu.dma_semaphore, #tpu.memory_space<semaphore_mem>>)
    %dma_wait3A = arith.constant 0 : i32
    %dma_wait3A_9 = arith.constant 0 : i32
    %dma_wait3A_10 = tpu.memref_slice %arg5[%dma_wait3A, %dma_wait3A_9] : memref<4x64xi32, #tpu.memory_space<vmem>> -> memref<1x64xi32, #tpu.memory_space<vmem>>
    %dma_wait3A_11 = tpu.memref_squeeze %dma_wait3A_10 : memref<1x64xi32, #tpu.memory_space<vmem>> -> memref<64xi32, #tpu.memory_space<vmem>>
    %dma_wait3A_12 = arith.constant 0 : i32
    %dma_wait3A_13 = arith.constant 0 : i32
    %dma_wait3A_14 = tpu.memref_slice %arg3[%dma_wait3A_12, %dma_wait3A_13] : memref<100000x768xf32, #tpu.memory_space<hbm>> -> memref<100000x768xf32, #tpu.memory_space<hbm>>
    tpu.wait_indirect_dma semaphore(%arg7 : memref<!tpu.dma_semaphore, #tpu.memory_space<semaphore_mem>>) src(%dma_wait3A_14 : memref<100000x768xf32, #tpu.memory_space<hbm>>) dst(%arg6 : memref<64x768xf32, #tpu.memory_space<vmem>>)
    %add3A_15 = arith.constant 0 : i32
    %add3A_16 = arith.addi %mul3A_2, %add3A_15 : i32
    "tpu.region"() ({
      %run_scoped3A = tpu.sem_alloc : memref<!tpu.dma_semaphore, #tpu.memory_space<semaphore_mem>>
      %dma_start3A_65 = arith.constant 0 : i32
      %dma_start3A_66 = tpu.memref_slice %arg4[%add3A_16, %dma_start3A_65] : memref<8192x768xf32, #tpu.memory_space<hbm>> -> memref<64x768xf32, #tpu.memory_space<hbm>>
      %dma_start3A_67 = arith.constant 0 : i32
      %dma_start3A_68 = tpu.memref_slice %arg4[%add3A_16, %dma_start3A_67] : memref<8192x768xf32, #tpu.memory_space<hbm>> -> memref<64x768xf32, #tpu.memory_space<hbm>>
      tpu.enqueue_dma source(%arg6 : memref<64x768xf32, #tpu.memory_space<vmem>>) target(%dma_start3A_68 : memref<64x768xf32, #tpu.memory_space<hbm>>) target_semaphore(%run_scoped3A : memref<!tpu.dma_semaphore, #tpu.memory_space<semaphore_mem>>)
      %dma_wait3A_69 = arith.constant 0 : i32
      %dma_wait3A_70 = tpu.memref_slice %arg4[%add3A_16, %dma_wait3A_69] : memref<8192x768xf32, #tpu.memory_space<hbm>> -> memref<64x768xf32, #tpu.memory_space<hbm>>
      %dma_wait3A_71 = arith.constant 0 : i32
      %dma_wait3A_72 = tpu.memref_slice %arg4[%add3A_16, %dma_wait3A_71] : memref<8192x768xf32, #tpu.memory_space<hbm>> -> memref<64x768xf32, #tpu.memory_space<hbm>>
      tpu.wait_dma2 semaphore(%run_scoped3A : memref<!tpu.dma_semaphore, #tpu.memory_space<semaphore_mem>>) src(%arg6 : memref<64x768xf32, #tpu.memory_space<vmem>>) dst(%dma_wait3A_72 : memref<64x768xf32, #tpu.memory_space<hbm>>)
      tpu.yield
    }) : () -> ()
    %dma_start3A_17 = arith.constant 1 : i32
    %dma_start3A_18 = arith.constant 0 : i32
    %dma_start3A_19 = tpu.memref_slice %arg5[%dma_start3A_17, %dma_start3A_18] : memref<4x64xi32, #tpu.memory_space<vmem>> -> memref<1x64xi32, #tpu.memory_space<vmem>>
    %dma_start3A_20 = tpu.memref_squeeze %dma_start3A_19 : memref<1x64xi32, #tpu.memory_space<vmem>> -> memref<64xi32, #tpu.memory_space<vmem>>
    %dma_start3A_21 = arith.constant 0 : i32
    %dma_start3A_22 = arith.constant 0 : i32
    %dma_start3A_23 = tpu.memref_slice %arg3[%dma_start3A_21, %dma_start3A_22] : memref<100000x768xf32, #tpu.memory_space<hbm>> -> memref<100000x768xf32, #tpu.memory_space<hbm>>
    tpu.enqueue_indirect_dma source(%dma_start3A_23 : memref<100000x768xf32, #tpu.memory_space<hbm>>) target(%arg6 : memref<64x768xf32, #tpu.memory_space<vmem>>) offsets(%dma_start3A_20 : memref<64xi32, #tpu.memory_space<vmem>>) semaphore(%arg7 : memref<!tpu.dma_semaphore, #tpu.memory_space<semaphore_mem>>)
    %dma_wait3A_24 = arith.constant 1 : i32
    %dma_wait3A_25 = arith.constant 0 : i32
    %dma_wait3A_26 = tpu.memref_slice %arg5[%dma_wait3A_24, %dma_wait3A_25] : memref<4x64xi32, #tpu.memory_space<vmem>> -> memref<1x64xi32, #tpu.memory_space<vmem>>
    %dma_wait3A_27 = tpu.memref_squeeze %dma_wait3A_26 : memref<1x64xi32, #tpu.memory_space<vmem>> -> memref<64xi32, #tpu.memory_space<vmem>>
    %dma_wait3A_28 = arith.constant 0 : i32
    %dma_wait3A_29 = arith.constant 0 : i32
    %dma_wait3A_30 = tpu.memref_slice %arg3[%dma_wait3A_28, %dma_wait3A_29] : memref<100000x768xf32, #tpu.memory_space<hbm>> -> memref<100000x768xf32, #tpu.memory_space<hbm>>
    tpu.wait_indirect_dma semaphore(%arg7 : memref<!tpu.dma_semaphore, #tpu.memory_space<semaphore_mem>>) src(%dma_wait3A_30 : memref<100000x768xf32, #tpu.memory_space<hbm>>) dst(%arg6 : memref<64x768xf32, #tpu.memory_space<vmem>>)
    %add3A_31 = arith.constant 64 : i32
    %add3A_32 = arith.addi %mul3A_2, %add3A_31 : i32
    "tpu.region"() ({
      %run_scoped3A = tpu.sem_alloc : memref<!tpu.dma_semaphore, #tpu.memory_space<semaphore_mem>>
      %dma_start3A_65 = arith.constant 0 : i32
      %dma_start3A_66 = tpu.memref_slice %arg4[%add3A_32, %dma_start3A_65] : memref<8192x768xf32, #tpu.memory_space<hbm>> -> memref<64x768xf32, #tpu.memory_space<hbm>>
      %dma_start3A_67 = arith.constant 0 : i32
      %dma_start3A_68 = tpu.memref_slice %arg4[%add3A_32, %dma_start3A_67] : memref<8192x768xf32, #tpu.memory_space<hbm>> -> memref<64x768xf32, #tpu.memory_space<hbm>>
      tpu.enqueue_dma source(%arg6 : memref<64x768xf32, #tpu.memory_space<vmem>>) target(%dma_start3A_68 : memref<64x768xf32, #tpu.memory_space<hbm>>) target_semaphore(%run_scoped3A : memref<!tpu.dma_semaphore, #tpu.memory_space<semaphore_mem>>)
      %dma_wait3A_69 = arith.constant 0 : i32
      %dma_wait3A_70 = tpu.memref_slice %arg4[%add3A_32, %dma_wait3A_69] : memref<8192x768xf32, #tpu.memory_space<hbm>> -> memref<64x768xf32, #tpu.memory_space<hbm>>
      %dma_wait3A_71 = arith.constant 0 : i32
      %dma_wait3A_72 = tpu.memref_slice %arg4[%add3A_32, %dma_wait3A_71] : memref<8192x768xf32, #tpu.memory_space<hbm>> -> memref<64x768xf32, #tpu.memory_space<hbm>>
      tpu.wait_dma2 semaphore(%run_scoped3A : memref<!tpu.dma_semaphore, #tpu.memory_space<semaphore_mem>>) src(%arg6 : memref<64x768xf32, #tpu.memory_space<vmem>>) dst(%dma_wait3A_72 : memref<64x768xf32, #tpu.memory_space<hbm>>)
      tpu.yield
    }) : () -> ()
    %dma_start3A_33 = arith.constant 2 : i32
    %dma_start3A_34 = arith.constant 0 : i32
    %dma_start3A_35 = tpu.memref_slice %arg5[%dma_start3A_33, %dma_start3A_34] : memref<4x64xi32, #tpu.memory_space<vmem>> -> memref<1x64xi32, #tpu.memory_space<vmem>>
    %dma_start3A_36 = tpu.memref_squeeze %dma_start3A_35 : memref<1x64xi32, #tpu.memory_space<vmem>> -> memref<64xi32, #tpu.memory_space<vmem>>
    %dma_start3A_37 = arith.constant 0 : i32
    %dma_start3A_38 = arith.constant 0 : i32
    %dma_start3A_39 = tpu.memref_slice %arg3[%dma_start3A_37, %dma_start3A_38] : memref<100000x768xf32, #tpu.memory_space<hbm>> -> memref<100000x768xf32, #tpu.memory_space<hbm>>
    tpu.enqueue_indirect_dma source(%dma_start3A_39 : memref<100000x768xf32, #tpu.memory_space<hbm>>) target(%arg6 : memref<64x768xf32, #tpu.memory_space<vmem>>) offsets(%dma_start3A_36 : memref<64xi32, #tpu.memory_space<vmem>>) semaphore(%arg7 : memref<!tpu.dma_semaphore, #tpu.memory_space<semaphore_mem>>)
    %dma_wait3A_40 = arith.constant 2 : i32
    %dma_wait3A_41 = arith.constant 0 : i32
    %dma_wait3A_42 = tpu.memref_slice %arg5[%dma_wait3A_40, %dma_wait3A_41] : memref<4x64xi32, #tpu.memory_space<vmem>> -> memref<1x64xi32, #tpu.memory_space<vmem>>
    %dma_wait3A_43 = tpu.memref_squeeze %dma_wait3A_42 : memref<1x64xi32, #tpu.memory_space<vmem>> -> memref<64xi32, #tpu.memory_space<vmem>>
    %dma_wait3A_44 = arith.constant 0 : i32
    %dma_wait3A_45 = arith.constant 0 : i32
    %dma_wait3A_46 = tpu.memref_slice %arg3[%dma_wait3A_44, %dma_wait3A_45] : memref<100000x768xf32, #tpu.memory_space<hbm>> -> memref<100000x768xf32, #tpu.memory_space<hbm>>
    tpu.wait_indirect_dma semaphore(%arg7 : memref<!tpu.dma_semaphore, #tpu.memory_space<semaphore_mem>>) src(%dma_wait3A_46 : memref<100000x768xf32, #tpu.memory_space<hbm>>) dst(%arg6 : memref<64x768xf32, #tpu.memory_space<vmem>>)
    %add3A_47 = arith.constant 128 : i32
    %add3A_48 = arith.addi %mul3A_2, %add3A_47 : i32
    "tpu.region"() ({
      %run_scoped3A = tpu.sem_alloc : memref<!tpu.dma_semaphore, #tpu.memory_space<semaphore_mem>>
      %dma_start3A_65 = arith.constant 0 : i32
      %dma_start3A_66 = tpu.memref_slice %arg4[%add3A_48, %dma_start3A_65] : memref<8192x768xf32, #tpu.memory_space<hbm>> -> memref<64x768xf32, #tpu.memory_space<hbm>>
      %dma_start3A_67 = arith.constant 0 : i32
      %dma_start3A_68 = tpu.memref_slice %arg4[%add3A_48, %dma_start3A_67] : memref<8192x768xf32, #tpu.memory_space<hbm>> -> memref<64x768xf32, #tpu.memory_space<hbm>>
      tpu.enqueue_dma source(%arg6 : memref<64x768xf32, #tpu.memory_space<vmem>>) target(%dma_start3A_68 : memref<64x768xf32, #tpu.memory_space<hbm>>) target_semaphore(%run_scoped3A : memref<!tpu.dma_semaphore, #tpu.memory_space<semaphore_mem>>)
      %dma_wait3A_69 = arith.constant 0 : i32
      %dma_wait3A_70 = tpu.memref_slice %arg4[%add3A_48, %dma_wait3A_69] : memref<8192x768xf32, #tpu.memory_space<hbm>> -> memref<64x768xf32, #tpu.memory_space<hbm>>
      %dma_wait3A_71 = arith.constant 0 : i32
      %dma_wait3A_72 = tpu.memref_slice %arg4[%add3A_48, %dma_wait3A_71] : memref<8192x768xf32, #tpu.memory_space<hbm>> -> memref<64x768xf32, #tpu.memory_space<hbm>>
      tpu.wait_dma2 semaphore(%run_scoped3A : memref<!tpu.dma_semaphore, #tpu.memory_space<semaphore_mem>>) src(%arg6 : memref<64x768xf32, #tpu.memory_space<vmem>>) dst(%dma_wait3A_72 : memref<64x768xf32, #tpu.memory_space<hbm>>)
      tpu.yield
    }) : () -> ()
    %dma_start3A_49 = arith.constant 3 : i32
    %dma_start3A_50 = arith.constant 0 : i32
    %dma_start3A_51 = tpu.memref_slice %arg5[%dma_start3A_49, %dma_start3A_50] : memref<4x64xi32, #tpu.memory_space<vmem>> -> memref<1x64xi32, #tpu.memory_space<vmem>>
    %dma_start3A_52 = tpu.memref_squeeze %dma_start3A_51 : memref<1x64xi32, #tpu.memory_space<vmem>> -> memref<64xi32, #tpu.memory_space<vmem>>
    %dma_start3A_53 = arith.constant 0 : i32
    %dma_start3A_54 = arith.constant 0 : i32
    %dma_start3A_55 = tpu.memref_slice %arg3[%dma_start3A_53, %dma_start3A_54] : memref<100000x768xf32, #tpu.memory_space<hbm>> -> memref<100000x768xf32, #tpu.memory_space<hbm>>
    tpu.enqueue_indirect_dma source(%dma_start3A_55 : memref<100000x768xf32, #tpu.memory_space<hbm>>) target(%arg6 : memref<64x768xf32, #tpu.memory_space<vmem>>) offsets(%dma_start3A_52 : memref<64xi32, #tpu.memory_space<vmem>>) semaphore(%arg7 : memref<!tpu.dma_semaphore, #tpu.memory_space<semaphore_mem>>)
    %dma_wait3A_56 = arith.constant 3 : i32
    %dma_wait3A_57 = arith.constant 0 : i32
    %dma_wait3A_58 = tpu.memref_slice %arg5[%dma_wait3A_56, %dma_wait3A_57] : memref<4x64xi32, #tpu.memory_space<vmem>> -> memref<1x64xi32, #tpu.memory_space<vmem>>
    %dma_wait3A_59 = tpu.memref_squeeze %dma_wait3A_58 : memref<1x64xi32, #tpu.memory_space<vmem>> -> memref<64xi32, #tpu.memory_space<vmem>>
    %dma_wait3A_60 = arith.constant 0 : i32
    %dma_wait3A_61 = arith.constant 0 : i32
    %dma_wait3A_62 = tpu.memref_slice %arg3[%dma_wait3A_60, %dma_wait3A_61] : memref<100000x768xf32, #tpu.memory_space<hbm>> -> memref<100000x768xf32, #tpu.memory_space<hbm>>
    tpu.wait_indirect_dma semaphore(%arg7 : memref<!tpu.dma_semaphore, #tpu.memory_space<semaphore_mem>>) src(%dma_wait3A_62 : memref<100000x768xf32, #tpu.memory_space<hbm>>) dst(%arg6 : memref<64x768xf32, #tpu.memory_space<vmem>>)
    %add3A_63 = arith.constant 192 : i32
    %add3A_64 = arith.addi %mul3A_2, %add3A_63 : i32
    "tpu.region"() ({
      %run_scoped3A = tpu.sem_alloc : memref<!tpu.dma_semaphore, #tpu.memory_space<semaphore_mem>>
      %dma_start3A_65 = arith.constant 0 : i32
      %dma_start3A_66 = tpu.memref_slice %arg4[%add3A_64, %dma_start3A_65] : memref<8192x768xf32, #tpu.memory_space<hbm>> -> memref<64x768xf32, #tpu.memory_space<hbm>>
      %dma_start3A_67 = arith.constant 0 : i32
      %dma_start3A_68 = tpu.memref_slice %arg4[%add3A_64, %dma_start3A_67] : memref<8192x768xf32, #tpu.memory_space<hbm>> -> memref<64x768xf32, #tpu.memory_space<hbm>>
      tpu.enqueue_dma source(%arg6 : memref<64x768xf32, #tpu.memory_space<vmem>>) target(%dma_start3A_68 : memref<64x768xf32, #tpu.memory_space<hbm>>) target_semaphore(%run_scoped3A : memref<!tpu.dma_semaphore, #tpu.memory_space<semaphore_mem>>)
      %dma_wait3A_69 = arith.constant 0 : i32
      %dma_wait3A_70 = tpu.memref_slice %arg4[%add3A_64, %dma_wait3A_69] : memref<8192x768xf32, #tpu.memory_space<hbm>> -> memref<64x768xf32, #tpu.memory_space<hbm>>
      %dma_wait3A_71 = arith.constant 0 : i32
      %dma_wait3A_72 = tpu.memref_slice %arg4[%add3A_64, %dma_wait3A_71] : memref<8192x768xf32, #tpu.memory_space<hbm>> -> memref<64x768xf32, #tpu.memory_space<hbm>>
      tpu.wait_dma2 semaphore(%run_scoped3A : memref<!tpu.dma_semaphore, #tpu.memory_space<semaphore_mem>>) src(%arg6 : memref<64x768xf32, #tpu.memory_space<vmem>>) dst(%dma_wait3A_72 : memref<64x768xf32, #tpu.memory_space<hbm>>)
      tpu.yield
    }) : () -> ()
    return
  }
}

module attributes {stable_mosaic.version = 14 : i64} {
  func.func @_qe_body(%arg0: memref<2048x64xf32, #tpu.memory_space<vmem>>, %arg1: memref<64x64xf32, #tpu.memory_space<vmem>>, %arg2: memref<2048x64xbf16, #tpu.memory_space<vmem>>) attributes {dimension_semantics = [], scalar_prefetch = 0 : i64, scratch_operands = 0 : i64, tpu.core_type = #tpu.core_type<tc>} {
    %get3A = arith.constant 0 : index
    %get3A_0 = arith.constant 0 : index
    %get3A_1 = vector.load %arg0[%get3A, %get3A_0] : memref<2048x64xf32, #tpu.memory_space<vmem>>, vector<2048x64xf32>
    %get3A_2 = arith.constant 0 : index
    %get3A_3 = arith.constant 0 : index
    %get3A_4 = vector.load %arg1[%get3A_2, %get3A_3] : memref<64x64xf32, #tpu.memory_space<vmem>>, vector<64x64xf32>
    %dot_general3A = arith.constant dense<0.000000e+00> : vector<2048x64xf32>
    %dot_general3A_5 = tpu.matmul %get3A_1, %get3A_4, %dot_general3A {dimension_numbers = #tpu.dot_dimension_numbers<[1], [1], [0], [0], [0, 0, 1, 0], [], []>, transpose_lhs_hint = false} : vector<2048x64xf32>, vector<64x64xf32>, vector<2048x64xf32> -> vector<2048x64xf32>
    %mul3A = arith.mulf %dot_general3A_5, %dot_general3A_5 : vector<2048x64xf32>
    %reduce_sum3A = arith.constant dense<0.000000e+00> : vector<2048xf32>
    %reduce_sum3A_6 = vector.multi_reduction <add>, %mul3A, %reduce_sum3A [1] : vector<2048x64xf32> to vector<2048xf32>
    %broadcast_in_dim3A = vector.shape_cast %reduce_sum3A_6 : vector<2048xf32> to vector<2048x1xf32>
    %sqrt3A = math.sqrt %broadcast_in_dim3A : vector<2048x1xf32>
    %max3A = arith.constant 9.99999996E-13 : f32
    %max3A_7 = vector.broadcast %max3A : f32 to vector<2048x1xf32>
    %max3A_8 = arith.maximumf %sqrt3A, %max3A_7 : vector<2048x1xf32>
    %div3A = vector.broadcast %max3A_8 : vector<2048x1xf32> to vector<2048x64xf32>
    %div3A_9 = arith.divf %dot_general3A_5, %div3A : vector<2048x64xf32>
    %convert_element_type3A = arith.truncf %div3A_9 : vector<2048x64xf32> to vector<2048x64xbf16>
    %swap3A = arith.constant 0 : index
    %swap3A_10 = arith.constant 0 : index
    %swap3A_11 = vector.load %arg2[%swap3A, %swap3A_10] : memref<2048x64xbf16, #tpu.memory_space<vmem>>, vector<2048x64xbf16>
    tpu.vector_store %arg2[%swap3A, %swap3A_10], %convert_element_type3A {strides = array<i32>} : memref<2048x64xbf16, #tpu.memory_space<vmem>>, vector<2048x64xbf16>,
    return
  }
}

module attributes {stable_mosaic.version = 14 : i64} {
  func.func @_stage1_body(%arg0: i32, %arg1: memref<2048x64xbf16, #tpu.memory_space<vmem>>, %arg2: memref<4096x64xf32, #tpu.memory_space<vmem>>, %arg3: memref<2048x128xf32, #tpu.memory_space<vmem>>) attributes {dimension_semantics = [#tpu.dimension_semantics<arbitrary>], iteration_bounds = array<i64: 25>, scalar_prefetch = 0 : i64, scratch_operands = 0 : i64, tpu.core_type = #tpu.core_type<tc>, window_params = [{pipeline_mode = #tpu.pipeline_mode<synchronous>, transform_indices = @transform_0, window_bounds = array<i64: 2048, 64>}, {transform_indices = @transform_1, window_bounds = array<i64: 4096, 64>}, {pipeline_mode = #tpu.pipeline_mode<synchronous>, transform_indices = @transform_2, window_bounds = array<i64: 2048, 128>}]} {
    %eq3A = arith.constant 0 : i32
    %eq3A_0 = arith.cmpi eq, %arg0, %eq3A : i32
    %convert_element_type3A = arith.extui %eq3A_0 : i1 to i32
    %cond3A = arith.constant 0 : i32
    %cond3A_1 = arith.cmpi ne, %convert_element_type3A, %cond3A : i32
    scf.if %cond3A_1 {
      %broadcast_in_dim3A_642 = arith.constant 0.000000e+00 : f32
      %broadcast_in_dim3A_643 = vector.broadcast %broadcast_in_dim3A_642 : f32 to vector<2048x128xf32>
      %swap3A_644 = arith.constant 0 : index
      %swap3A_645 = arith.constant 0 : index
      %swap3A_646 = vector.load %arg3[%swap3A_644, %swap3A_645] : memref<2048x128xf32, #tpu.memory_space<vmem>>, vector<2048x128xf32>
      tpu.vector_store %arg3[%swap3A_644, %swap3A_645], %broadcast_in_dim3A_643 {strides = array<i32>} : memref<2048x128xf32, #tpu.memory_space<vmem>>, vector<2048x128xf32>,
    } else {
    }
    %get3A = arith.constant 0 : index
    %get3A_2 = arith.constant 0 : index
    %get3A_3 = vector.load %arg2[%get3A, %get3A_2] : memref<4096x64xf32, #tpu.memory_space<vmem>>, vector<4096x64xf32>
    %mul3A = arith.mulf %get3A_3, %get3A_3 : vector<4096x64xf32>
    %reduce_sum3A = arith.constant dense<0.000000e+00> : vector<4096xf32>
    %reduce_sum3A_4 = vector.multi_reduction <add>, %mul3A, %reduce_sum3A [1] : vector<4096x64xf32> to vector<4096xf32>
    %broadcast_in_dim3A = vector.shape_cast %reduce_sum3A_4 : vector<4096xf32> to vector<4096x1xf32>
    %sqrt3A = math.sqrt %broadcast_in_dim3A : vector<4096x1xf32>
    %max3A = arith.constant 9.99999996E-13 : f32
    %max3A_5 = vector.broadcast %max3A : f32 to vector<4096x1xf32>
    %max3A_6 = arith.maximumf %sqrt3A, %max3A_5 : vector<4096x1xf32>
    %div3A = arith.constant 1.000000e+00 : f32
    %div3A_7 = vector.broadcast %div3A : f32 to vector<4096x1xf32>
    %div3A_8 = arith.divf %div3A_7, %max3A_6 : vector<4096x1xf32>
    %mul3A_9 = vector.broadcast %div3A_8 : vector<4096x1xf32> to vector<4096x64xf32>
    %mul3A_10 = arith.mulf %get3A_3, %mul3A_9 : vector<4096x64xf32>
    %convert_element_type3A_11 = arith.truncf %mul3A_10 : vector<4096x64xf32> to vector<4096x64xbf16>
    %get3A_12 = arith.constant 0 : index
    %get3A_13 = arith.constant 0 : index
    %get3A_14 = vector.load %arg1[%get3A_12, %get3A_13] : memref<2048x64xbf16, #tpu.memory_space<vmem>>, vector<2048x64xbf16>
    %slice3A = vector.extract_strided_slice %convert_element_type3A_11 {offsets = [0, 0], sizes = [1024, 64], strides = [1, 1]} : vector<4096x64xbf16> to vector<1024x64xbf16>
    %dot_general3A = arith.constant dense<0.000000e+00> : vector<2048x1024xf32>
    %dot_general3A_15 = tpu.matmul %get3A_14, %slice3A, %dot_general3A {dimension_numbers = #tpu.dot_dimension_numbers<[1], [1], [0], [0], [0, 0, 1, 0], [], []>, transpose_lhs_hint = false} : vector<2048x64xbf16>, vector<1024x64xbf16>, vector<2048x1024xf32> -> vector<2048x1024xf32>
    %slice3A_16 = vector.extract_strided_slice %dot_general3A_15 {offsets = [0, 0], sizes = [2048, 128], strides = [1, 1]} : vector<2048x1024xf32> to vector<2048x128xf32>
    %bitcast_convert_type3A = tpu.bitcast %slice3A_16 : vector<2048x128xf32> -> vector<2048x128xi32>
    %mul3A_17 = arith.constant 32 : i32
    %mul3A_18 = arith.muli %arg0, %mul3A_17 : i32
    %add3A = arith.constant 0 : i32
    %add3A_19 = arith.addi %mul3A_18, %add3A : i32
    %or3A = arith.constant 2047 : i32
    %or3A_20 = vector.broadcast %or3A : i32 to vector<2048x128xi32>
    %or3A_21 = arith.ori %bitcast_convert_type3A, %or3A_20 : vector<2048x128xi32>
    %add3A_22 = arith.constant 0 : i32
    %add3A_23 = arith.addi %add3A_19, %add3A_22 : i32
    %sub3A = arith.constant 2047 : i32
    %sub3A_24 = arith.subi %sub3A, %add3A_23 : i32
    %xor3A = arith.constant 2047 : i32
    %xor3A_25 = arith.xori %xor3A, %sub3A_24 : i32
    %xor3A_26 = vector.broadcast %xor3A_25 : i32 to vector<2048x128xi32>
    %xor3A_27 = arith.xori %or3A_21, %xor3A_26 : vector<2048x128xi32>
    %bitcast_convert_type3A_28 = tpu.bitcast %xor3A_27 : vector<2048x128xi32> -> vector<2048x128xf32>
    %slice3A_29 = vector.extract_strided_slice %dot_general3A_15 {offsets = [0, 128], sizes = [2048, 128], strides = [1, 1]} : vector<2048x1024xf32> to vector<2048x128xf32>
    %bitcast_convert_type3A_30 = tpu.bitcast %slice3A_29 : vector<2048x128xf32> -> vector<2048x128xi32>
    %mul3A_31 = arith.constant 32 : i32
    %mul3A_32 = arith.muli %arg0, %mul3A_31 : i32
    %add3A_33 = arith.constant 0 : i32
    %add3A_34 = arith.addi %mul3A_32, %add3A_33 : i32
    %or3A_35 = arith.constant 2047 : i32
    %or3A_36 = vector.broadcast %or3A_35 : i32 to vector<2048x128xi32>
    %or3A_37 = arith.ori %bitcast_convert_type3A_30, %or3A_36 : vector<2048x128xi32>
    %add3A_38 = arith.constant 1 : i32
    %add3A_39 = arith.addi %add3A_34, %add3A_38 : i32
    %sub3A_40 = arith.constant 2047 : i32
    %sub3A_41 = arith.subi %sub3A_40, %add3A_39 : i32
    %xor3A_42 = arith.constant 2047 : i32
    %xor3A_43 = arith.xori %xor3A_42, %sub3A_41 : i32
    %xor3A_44 = vector.broadcast %xor3A_43 : i32 to vector<2048x128xi32>
    %xor3A_45 = arith.xori %or3A_37, %xor3A_44 : vector<2048x128xi32>
    %bitcast_convert_type3A_46 = tpu.bitcast %xor3A_45 : vector<2048x128xi32> -> vector<2048x128xf32>
    %slice3A_47 = vector.extract_strided_slice %dot_general3A_15 {offsets = [0, 256], sizes = [2048, 128], strides = [1, 1]} : vector<2048x1024xf32> to vector<2048x128xf32>
    %bitcast_convert_type3A_48 = tpu.bitcast %slice3A_47 : vector<2048x128xf32> -> vector<2048x128xi32>
    %mul3A_49 = arith.constant 32 : i32
    %mul3A_50 = arith.muli %arg0, %mul3A_49 : i32
    %add3A_51 = arith.constant 0 : i32
    %add3A_52 = arith.addi %mul3A_50, %add3A_51 : i32
    %or3A_53 = arith.constant 2047 : i32
    %or3A_54 = vector.broadcast %or3A_53 : i32 to vector<2048x128xi32>
    %or3A_55 = arith.ori %bitcast_convert_type3A_48, %or3A_54 : vector<2048x128xi32>
    %add3A_56 = arith.constant 2 : i32
    %add3A_57 = arith.addi %add3A_52, %add3A_56 : i32
    %sub3A_58 = arith.constant 2047 : i32
    %sub3A_59 = arith.subi %sub3A_58, %add3A_57 : i32
    %xor3A_60 = arith.constant 2047 : i32
    %xor3A_61 = arith.xori %xor3A_60, %sub3A_59 : i32
    %xor3A_62 = vector.broadcast %xor3A_61 : i32 to vector<2048x128xi32>
    %xor3A_63 = arith.xori %or3A_55, %xor3A_62 : vector<2048x128xi32>
    %bitcast_convert_type3A_64 = tpu.bitcast %xor3A_63 : vector<2048x128xi32> -> vector<2048x128xf32>
    %slice3A_65 = vector.extract_strided_slice %dot_general3A_15 {offsets = [0, 384], sizes = [2048, 128], strides = [1, 1]} : vector<2048x1024xf32> to vector<2048x128xf32>
    %bitcast_convert_type3A_66 = tpu.bitcast %slice3A_65 : vector<2048x128xf32> -> vector<2048x128xi32>
    %mul3A_67 = arith.constant 32 : i32
    %mul3A_68 = arith.muli %arg0, %mul3A_67 : i32
    %add3A_69 = arith.constant 0 : i32
    %add3A_70 = arith.addi %mul3A_68, %add3A_69 : i32
    %or3A_71 = arith.constant 2047 : i32
    %or3A_72 = vector.broadcast %or3A_71 : i32 to vector<2048x128xi32>
    %or3A_73 = arith.ori %bitcast_convert_type3A_66, %or3A_72 : vector<2048x128xi32>
    %add3A_74 = arith.constant 3 : i32
    %add3A_75 = arith.addi %add3A_70, %add3A_74 : i32
    %sub3A_76 = arith.constant 2047 : i32
    %sub3A_77 = arith.subi %sub3A_76, %add3A_75 : i32
    %xor3A_78 = arith.constant 2047 : i32
    %xor3A_79 = arith.xori %xor3A_78, %sub3A_77 : i32
    %xor3A_80 = vector.broadcast %xor3A_79 : i32 to vector<2048x128xi32>
    %xor3A_81 = arith.xori %or3A_73, %xor3A_80 : vector<2048x128xi32>
    %bitcast_convert_type3A_82 = tpu.bitcast %xor3A_81 : vector<2048x128xi32> -> vector<2048x128xf32>
    %slice3A_83 = vector.extract_strided_slice %dot_general3A_15 {offsets = [0, 512], sizes = [2048, 128], strides = [1, 1]} : vector<2048x1024xf32> to vector<2048x128xf32>
    %bitcast_convert_type3A_84 = tpu.bitcast %slice3A_83 : vector<2048x128xf32> -> vector<2048x128xi32>
    %mul3A_85 = arith.constant 32 : i32
    %mul3A_86 = arith.muli %arg0, %mul3A_85 : i32
    %add3A_87 = arith.constant 0 : i32
    %add3A_88 = arith.addi %mul3A_86, %add3A_87 : i32
    %or3A_89 = arith.constant 2047 : i32
    %or3A_90 = vector.broadcast %or3A_89 : i32 to vector<2048x128xi32>
    %or3A_91 = arith.ori %bitcast_convert_type3A_84, %or3A_90 : vector<2048x128xi32>
    %add3A_92 = arith.constant 4 : i32
    %add3A_93 = arith.addi %add3A_88, %add3A_92 : i32
    %sub3A_94 = arith.constant 2047 : i32
    %sub3A_95 = arith.subi %sub3A_94, %add3A_93 : i32
    %xor3A_96 = arith.constant 2047 : i32
    %xor3A_97 = arith.xori %xor3A_96, %sub3A_95 : i32
    %xor3A_98 = vector.broadcast %xor3A_97 : i32 to vector<2048x128xi32>
    %xor3A_99 = arith.xori %or3A_91, %xor3A_98 : vector<2048x128xi32>
    %bitcast_convert_type3A_100 = tpu.bitcast %xor3A_99 : vector<2048x128xi32> -> vector<2048x128xf32>
    %slice3A_101 = vector.extract_strided_slice %dot_general3A_15 {offsets = [0, 640], sizes = [2048, 128], strides = [1, 1]} : vector<2048x1024xf32> to vector<2048x128xf32>
    %bitcast_convert_type3A_102 = tpu.bitcast %slice3A_101 : vector<2048x128xf32> -> vector<2048x128xi32>
    %mul3A_103 = arith.constant 32 : i32
    %mul3A_104 = arith.muli %arg0, %mul3A_103 : i32
    %add3A_105 = arith.constant 0 : i32
    %add3A_106 = arith.addi %mul3A_104, %add3A_105 : i32
    %or3A_107 = arith.constant 2047 : i32
    %or3A_108 = vector.broadcast %or3A_107 : i32 to vector<2048x128xi32>
    %or3A_109 = arith.ori %bitcast_convert_type3A_102, %or3A_108 : vector<2048x128xi32>
    %add3A_110 = arith.constant 5 : i32
    %add3A_111 = arith.addi %add3A_106, %add3A_110 : i32
    %sub3A_112 = arith.constant 2047 : i32
    %sub3A_113 = arith.subi %sub3A_112, %add3A_111 : i32
    %xor3A_114 = arith.constant 2047 : i32
    %xor3A_115 = arith.xori %xor3A_114, %sub3A_113 : i32
    %xor3A_116 = vector.broadcast %xor3A_115 : i32 to vector<2048x128xi32>
    %xor3A_117 = arith.xori %or3A_109, %xor3A_116 : vector<2048x128xi32>
    %bitcast_convert_type3A_118 = tpu.bitcast %xor3A_117 : vector<2048x128xi32> -> vector<2048x128xf32>
    %slice3A_119 = vector.extract_strided_slice %dot_general3A_15 {offsets = [0, 768], sizes = [2048, 128], strides = [1, 1]} : vector<2048x1024xf32> to vector<2048x128xf32>
    %bitcast_convert_type3A_120 = tpu.bitcast %slice3A_119 : vector<2048x128xf32> -> vector<2048x128xi32>
    %mul3A_121 = arith.constant 32 : i32
    %mul3A_122 = arith.muli %arg0, %mul3A_121 : i32
    %add3A_123 = arith.constant 0 : i32
    %add3A_124 = arith.addi %mul3A_122, %add3A_123 : i32
    %or3A_125 = arith.constant 2047 : i32
    %or3A_126 = vector.broadcast %or3A_125 : i32 to vector<2048x128xi32>
    %or3A_127 = arith.ori %bitcast_convert_type3A_120, %or3A_126 : vector<2048x128xi32>
    %add3A_128 = arith.constant 6 : i32
    %add3A_129 = arith.addi %add3A_124, %add3A_128 : i32
    %sub3A_130 = arith.constant 2047 : i32
    %sub3A_131 = arith.subi %sub3A_130, %add3A_129 : i32
    %xor3A_132 = arith.constant 2047 : i32
    %xor3A_133 = arith.xori %xor3A_132, %sub3A_131 : i32
    %xor3A_134 = vector.broadcast %xor3A_133 : i32 to vector<2048x128xi32>
    %xor3A_135 = arith.xori %or3A_127, %xor3A_134 : vector<2048x128xi32>
    %bitcast_convert_type3A_136 = tpu.bitcast %xor3A_135 : vector<2048x128xi32> -> vector<2048x128xf32>
    %slice3A_137 = vector.extract_strided_slice %dot_general3A_15 {offsets = [0, 896], sizes = [2048, 128], strides = [1, 1]} : vector<2048x1024xf32> to vector<2048x128xf32>
    %bitcast_convert_type3A_138 = tpu.bitcast %slice3A_137 : vector<2048x128xf32> -> vector<2048x128xi32>
    %mul3A_139 = arith.constant 32 : i32
    %mul3A_140 = arith.muli %arg0, %mul3A_139 : i32
    %add3A_141 = arith.constant 0 : i32
    %add3A_142 = arith.addi %mul3A_140, %add3A_141 : i32
    %or3A_143 = arith.constant 2047 : i32
    %or3A_144 = vector.broadcast %or3A_143 : i32 to vector<2048x128xi32>
    %or3A_145 = arith.ori %bitcast_convert_type3A_138, %or3A_144 : vector<2048x128xi32>
    %add3A_146 = arith.constant 7 : i32
    %add3A_147 = arith.addi %add3A_142, %add3A_146 : i32
    %sub3A_148 = arith.constant 2047 : i32
    %sub3A_149 = arith.subi %sub3A_148, %add3A_147 : i32
    %xor3A_150 = arith.constant 2047 : i32
    %xor3A_151 = arith.xori %xor3A_150, %sub3A_149 : i32
    %xor3A_152 = vector.broadcast %xor3A_151 : i32 to vector<2048x128xi32>
    %xor3A_153 = arith.xori %or3A_145, %xor3A_152 : vector<2048x128xi32>
    %bitcast_convert_type3A_154 = tpu.bitcast %xor3A_153 : vector<2048x128xi32> -> vector<2048x128xf32>
    %max3A_155 = arith.maximumf %bitcast_convert_type3A_28, %bitcast_convert_type3A_46 : vector<2048x128xf32>
    %max3A_156 = arith.maximumf %bitcast_convert_type3A_64, %bitcast_convert_type3A_82 : vector<2048x128xf32>
    %max3A_157 = arith.maximumf %bitcast_convert_type3A_100, %bitcast_convert_type3A_118 : vector<2048x128xf32>
    %max3A_158 = arith.maximumf %bitcast_convert_type3A_136, %bitcast_convert_type3A_154 : vector<2048x128xf32>
    %max3A_159 = arith.maximumf %max3A_155, %max3A_156 : vector<2048x128xf32>
    %max3A_160 = arith.maximumf %max3A_157, %max3A_158 : vector<2048x128xf32>
    %max3A_161 = arith.maximumf %max3A_159, %max3A_160 : vector<2048x128xf32>
    %get3A_162 = arith.constant 0 : index
    %get3A_163 = arith.constant 0 : index
    %get3A_164 = vector.load %arg1[%get3A_162, %get3A_163] : memref<2048x64xbf16, #tpu.memory_space<vmem>>, vector<2048x64xbf16>
    %slice3A_165 = vector.extract_strided_slice %convert_element_type3A_11 {offsets = [1024, 0], sizes = [1024, 64], strides = [1, 1]} : vector<4096x64xbf16> to vector<1024x64xbf16>
    %dot_general3A_166 = arith.constant dense<0.000000e+00> : vector<2048x1024xf32>
    %dot_general3A_167 = tpu.matmul %get3A_164, %slice3A_165, %dot_general3A_166 {dimension_numbers = #tpu.dot_dimension_numbers<[1], [1], [0], [0], [0, 0, 1, 0], [], []>, transpose_lhs_hint = false} : vector<2048x64xbf16>, vector<1024x64xbf16>, vector<2048x1024xf32> -> vector<2048x1024xf32>
    %slice3A_168 = vector.extract_strided_slice %dot_general3A_167 {offsets = [0, 0], sizes = [2048, 128], strides = [1, 1]} : vector<2048x1024xf32> to vector<2048x128xf32>
    %bitcast_convert_type3A_169 = tpu.bitcast %slice3A_168 : vector<2048x128xf32> -> vector<2048x128xi32>
    %mul3A_170 = arith.constant 32 : i32
    %mul3A_171 = arith.muli %arg0, %mul3A_170 : i32
    %add3A_172 = arith.constant 8 : i32
    %add3A_173 = arith.addi %mul3A_171, %add3A_172 : i32
    %or3A_174 = arith.constant 2047 : i32
    %or3A_175 = vector.broadcast %or3A_174 : i32 to vector<2048x128xi32>
    %or3A_176 = arith.ori %bitcast_convert_type3A_169, %or3A_175 : vector<2048x128xi32>
    %add3A_177 = arith.constant 0 : i32
    %add3A_178 = arith.addi %add3A_173, %add3A_177 : i32
    %sub3A_179 = arith.constant 2047 : i32
    %sub3A_180 = arith.subi %sub3A_179, %add3A_178 : i32
    %xor3A_181 = arith.constant 2047 : i32
    %xor3A_182 = arith.xori %xor3A_181, %sub3A_180 : i32
    %xor3A_183 = vector.broadcast %xor3A_182 : i32 to vector<2048x128xi32>
    %xor3A_184 = arith.xori %or3A_176, %xor3A_183 : vector<2048x128xi32>
    %bitcast_convert_type3A_185 = tpu.bitcast %xor3A_184 : vector<2048x128xi32> -> vector<2048x128xf32>
    %slice3A_186 = vector.extract_strided_slice %dot_general3A_167 {offsets = [0, 128], sizes = [2048, 128], strides = [1, 1]} : vector<2048x1024xf32> to vector<2048x128xf32>
    %bitcast_convert_type3A_187 = tpu.bitcast %slice3A_186 : vector<2048x128xf32> -> vector<2048x128xi32>
    %mul3A_188 = arith.constant 32 : i32
    %mul3A_189 = arith.muli %arg0, %mul3A_188 : i32
    %add3A_190 = arith.constant 8 : i32
    %add3A_191 = arith.addi %mul3A_189, %add3A_190 : i32
    %or3A_192 = arith.constant 2047 : i32
    %or3A_193 = vector.broadcast %or3A_192 : i32 to vector<2048x128xi32>
    %or3A_194 = arith.ori %bitcast_convert_type3A_187, %or3A_193 : vector<2048x128xi32>
    %add3A_195 = arith.constant 1 : i32
    %add3A_196 = arith.addi %add3A_191, %add3A_195 : i32
    %sub3A_197 = arith.constant 2047 : i32
    %sub3A_198 = arith.subi %sub3A_197, %add3A_196 : i32
    %xor3A_199 = arith.constant 2047 : i32
    %xor3A_200 = arith.xori %xor3A_199, %sub3A_198 : i32
    %xor3A_201 = vector.broadcast %xor3A_200 : i32 to vector<2048x128xi32>
    %xor3A_202 = arith.xori %or3A_194, %xor3A_201 : vector<2048x128xi32>
    %bitcast_convert_type3A_203 = tpu.bitcast %xor3A_202 : vector<2048x128xi32> -> vector<2048x128xf32>
    %slice3A_204 = vector.extract_strided_slice %dot_general3A_167 {offsets = [0, 256], sizes = [2048, 128], strides = [1, 1]} : vector<2048x1024xf32> to vector<2048x128xf32>
    %bitcast_convert_type3A_205 = tpu.bitcast %slice3A_204 : vector<2048x128xf32> -> vector<2048x128xi32>
    %mul3A_206 = arith.constant 32 : i32
    %mul3A_207 = arith.muli %arg0, %mul3A_206 : i32
    %add3A_208 = arith.constant 8 : i32
    %add3A_209 = arith.addi %mul3A_207, %add3A_208 : i32
    %or3A_210 = arith.constant 2047 : i32
    %or3A_211 = vector.broadcast %or3A_210 : i32 to vector<2048x128xi32>
    %or3A_212 = arith.ori %bitcast_convert_type3A_205, %or3A_211 : vector<2048x128xi32>
    %add3A_213 = arith.constant 2 : i32
    %add3A_214 = arith.addi %add3A_209, %add3A_213 : i32
    %sub3A_215 = arith.constant 2047 : i32
    %sub3A_216 = arith.subi %sub3A_215, %add3A_214 : i32
    %xor3A_217 = arith.constant 2047 : i32
    %xor3A_218 = arith.xori %xor3A_217, %sub3A_216 : i32
    %xor3A_219 = vector.broadcast %xor3A_218 : i32 to vector<2048x128xi32>
    %xor3A_220 = arith.xori %or3A_212, %xor3A_219 : vector<2048x128xi32>
    %bitcast_convert_type3A_221 = tpu.bitcast %xor3A_220 : vector<2048x128xi32> -> vector<2048x128xf32>
    %slice3A_222 = vector.extract_strided_slice %dot_general3A_167 {offsets = [0, 384], sizes = [2048, 128], strides = [1, 1]} : vector<2048x1024xf32> to vector<2048x128xf32>
    %bitcast_convert_type3A_223 = tpu.bitcast %slice3A_222 : vector<2048x128xf32> -> vector<2048x128xi32>
    %mul3A_224 = arith.constant 32 : i32
    %mul3A_225 = arith.muli %arg0, %mul3A_224 : i32
    %add3A_226 = arith.constant 8 : i32
    %add3A_227 = arith.addi %mul3A_225, %add3A_226 : i32
    %or3A_228 = arith.constant 2047 : i32
    %or3A_229 = vector.broadcast %or3A_228 : i32 to vector<2048x128xi32>
    %or3A_230 = arith.ori %bitcast_convert_type3A_223, %or3A_229 : vector<2048x128xi32>
    %add3A_231 = arith.constant 3 : i32
    %add3A_232 = arith.addi %add3A_227, %add3A_231 : i32
    %sub3A_233 = arith.constant 2047 : i32
    %sub3A_234 = arith.subi %sub3A_233, %add3A_232 : i32
    %xor3A_235 = arith.constant 2047 : i32
    %xor3A_236 = arith.xori %xor3A_235, %sub3A_234 : i32
    %xor3A_237 = vector.broadcast %xor3A_236 : i32 to vector<2048x128xi32>
    %xor3A_238 = arith.xori %or3A_230, %xor3A_237 : vector<2048x128xi32>
    %bitcast_convert_type3A_239 = tpu.bitcast %xor3A_238 : vector<2048x128xi32> -> vector<2048x128xf32>
    %slice3A_240 = vector.extract_strided_slice %dot_general3A_167 {offsets = [0, 512], sizes = [2048, 128], strides = [1, 1]} : vector<2048x1024xf32> to vector<2048x128xf32>
    %bitcast_convert_type3A_241 = tpu.bitcast %slice3A_240 : vector<2048x128xf32> -> vector<2048x128xi32>
    %mul3A_242 = arith.constant 32 : i32
    %mul3A_243 = arith.muli %arg0, %mul3A_242 : i32
    %add3A_244 = arith.constant 8 : i32
    %add3A_245 = arith.addi %mul3A_243, %add3A_244 : i32
    %or3A_246 = arith.constant 2047 : i32
    %or3A_247 = vector.broadcast %or3A_246 : i32 to vector<2048x128xi32>
    %or3A_248 = arith.ori %bitcast_convert_type3A_241, %or3A_247 : vector<2048x128xi32>
    %add3A_249 = arith.constant 4 : i32
    %add3A_250 = arith.addi %add3A_245, %add3A_249 : i32
    %sub3A_251 = arith.constant 2047 : i32
    %sub3A_252 = arith.subi %sub3A_251, %add3A_250 : i32
    %xor3A_253 = arith.constant 2047 : i32
    %xor3A_254 = arith.xori %xor3A_253, %sub3A_252 : i32
    %xor3A_255 = vector.broadcast %xor3A_254 : i32 to vector<2048x128xi32>
    %xor3A_256 = arith.xori %or3A_248, %xor3A_255 : vector<2048x128xi32>
    %bitcast_convert_type3A_257 = tpu.bitcast %xor3A_256 : vector<2048x128xi32> -> vector<2048x128xf32>
    %slice3A_258 = vector.extract_strided_slice %dot_general3A_167 {offsets = [0, 640], sizes = [2048, 128], strides = [1, 1]} : vector<2048x1024xf32> to vector<2048x128xf32>
    %bitcast_convert_type3A_259 = tpu.bitcast %slice3A_258 : vector<2048x128xf32> -> vector<2048x128xi32>
    %mul3A_260 = arith.constant 32 : i32
    %mul3A_261 = arith.muli %arg0, %mul3A_260 : i32
    %add3A_262 = arith.constant 8 : i32
    %add3A_263 = arith.addi %mul3A_261, %add3A_262 : i32
    %or3A_264 = arith.constant 2047 : i32
    %or3A_265 = vector.broadcast %or3A_264 : i32 to vector<2048x128xi32>
    %or3A_266 = arith.ori %bitcast_convert_type3A_259, %or3A_265 : vector<2048x128xi32>
    %add3A_267 = arith.constant 5 : i32
    %add3A_268 = arith.addi %add3A_263, %add3A_267 : i32
    %sub3A_269 = arith.constant 2047 : i32
    %sub3A_270 = arith.subi %sub3A_269, %add3A_268 : i32
    %xor3A_271 = arith.constant 2047 : i32
    %xor3A_272 = arith.xori %xor3A_271, %sub3A_270 : i32
    %xor3A_273 = vector.broadcast %xor3A_272 : i32 to vector<2048x128xi32>
    %xor3A_274 = arith.xori %or3A_266, %xor3A_273 : vector<2048x128xi32>
    %bitcast_convert_type3A_275 = tpu.bitcast %xor3A_274 : vector<2048x128xi32> -> vector<2048x128xf32>
    %slice3A_276 = vector.extract_strided_slice %dot_general3A_167 {offsets = [0, 768], sizes = [2048, 128], strides = [1, 1]} : vector<2048x1024xf32> to vector<2048x128xf32>
    %bitcast_convert_type3A_277 = tpu.bitcast %slice3A_276 : vector<2048x128xf32> -> vector<2048x128xi32>
    %mul3A_278 = arith.constant 32 : i32
    %mul3A_279 = arith.muli %arg0, %mul3A_278 : i32
    %add3A_280 = arith.constant 8 : i32
    %add3A_281 = arith.addi %mul3A_279, %add3A_280 : i32
    %or3A_282 = arith.constant 2047 : i32
    %or3A_283 = vector.broadcast %or3A_282 : i32 to vector<2048x128xi32>
    %or3A_284 = arith.ori %bitcast_convert_type3A_277, %or3A_283 : vector<2048x128xi32>
    %add3A_285 = arith.constant 6 : i32
    %add3A_286 = arith.addi %add3A_281, %add3A_285 : i32
    %sub3A_287 = arith.constant 2047 : i32
    %sub3A_288 = arith.subi %sub3A_287, %add3A_286 : i32
    %xor3A_289 = arith.constant 2047 : i32
    %xor3A_290 = arith.xori %xor3A_289, %sub3A_288 : i32
    %xor3A_291 = vector.broadcast %xor3A_290 : i32 to vector<2048x128xi32>
    %xor3A_292 = arith.xori %or3A_284, %xor3A_291 : vector<2048x128xi32>
    %bitcast_convert_type3A_293 = tpu.bitcast %xor3A_292 : vector<2048x128xi32> -> vector<2048x128xf32>
    %slice3A_294 = vector.extract_strided_slice %dot_general3A_167 {offsets = [0, 896], sizes = [2048, 128], strides = [1, 1]} : vector<2048x1024xf32> to vector<2048x128xf32>
    %bitcast_convert_type3A_295 = tpu.bitcast %slice3A_294 : vector<2048x128xf32> -> vector<2048x128xi32>
    %mul3A_296 = arith.constant 32 : i32
    %mul3A_297 = arith.muli %arg0, %mul3A_296 : i32
    %add3A_298 = arith.constant 8 : i32
    %add3A_299 = arith.addi %mul3A_297, %add3A_298 : i32
    %or3A_300 = arith.constant 2047 : i32
    %or3A_301 = vector.broadcast %or3A_300 : i32 to vector<2048x128xi32>
    %or3A_302 = arith.ori %bitcast_convert_type3A_295, %or3A_301 : vector<2048x128xi32>
    %add3A_303 = arith.constant 7 : i32
    %add3A_304 = arith.addi %add3A_299, %add3A_303 : i32
    %sub3A_305 = arith.constant 2047 : i32
    %sub3A_306 = arith.subi %sub3A_305, %add3A_304 : i32
    %xor3A_307 = arith.constant 2047 : i32
    %xor3A_308 = arith.xori %xor3A_307, %sub3A_306 : i32
    %xor3A_309 = vector.broadcast %xor3A_308 : i32 to vector<2048x128xi32>
    %xor3A_310 = arith.xori %or3A_302, %xor3A_309 : vector<2048x128xi32>
    %bitcast_convert_type3A_311 = tpu.bitcast %xor3A_310 : vector<2048x128xi32> -> vector<2048x128xf32>
    %max3A_312 = arith.maximumf %bitcast_convert_type3A_185, %bitcast_convert_type3A_203 : vector<2048x128xf32>
    %max3A_313 = arith.maximumf %bitcast_convert_type3A_221, %bitcast_convert_type3A_239 : vector<2048x128xf32>
    %max3A_314 = arith.maximumf %bitcast_convert_type3A_257, %bitcast_convert_type3A_275 : vector<2048x128xf32>
    %max3A_315 = arith.maximumf %bitcast_convert_type3A_293, %bitcast_convert_type3A_311 : vector<2048x128xf32>
    %max3A_316 = arith.maximumf %max3A_312, %max3A_313 : vector<2048x128xf32>
    %max3A_317 = arith.maximumf %max3A_314, %max3A_315 : vector<2048x128xf32>
    %max3A_318 = arith.maximumf %max3A_316, %max3A_317 : vector<2048x128xf32>
    %get3A_319 = arith.constant 0 : index
    %get3A_320 = arith.constant 0 : index
    %get3A_321 = vector.load %arg1[%get3A_319, %get3A_320] : memref<2048x64xbf16, #tpu.memory_space<vmem>>, vector<2048x64xbf16>
    %slice3A_322 = vector.extract_strided_slice %convert_element_type3A_11 {offsets = [2048, 0], sizes = [1024, 64], strides = [1, 1]} : vector<4096x64xbf16> to vector<1024x64xbf16>
    %dot_general3A_323 = arith.constant dense<0.000000e+00> : vector<2048x1024xf32>
    %dot_general3A_324 = tpu.matmul %get3A_321, %slice3A_322, %dot_general3A_323 {dimension_numbers = #tpu.dot_dimension_numbers<[1], [1], [0], [0], [0, 0, 1, 0], [], []>, transpose_lhs_hint = false} : vector<2048x64xbf16>, vector<1024x64xbf16>, vector<2048x1024xf32> -> vector<2048x1024xf32>
    %slice3A_325 = vector.extract_strided_slice %dot_general3A_324 {offsets = [0, 0], sizes = [2048, 128], strides = [1, 1]} : vector<2048x1024xf32> to vector<2048x128xf32>
    %bitcast_convert_type3A_326 = tpu.bitcast %slice3A_325 : vector<2048x128xf32> -> vector<2048x128xi32>
    %mul3A_327 = arith.constant 32 : i32
    %mul3A_328 = arith.muli %arg0, %mul3A_327 : i32
    %add3A_329 = arith.constant 16 : i32
    %add3A_330 = arith.addi %mul3A_328, %add3A_329 : i32
    %or3A_331 = arith.constant 2047 : i32
    %or3A_332 = vector.broadcast %or3A_331 : i32 to vector<2048x128xi32>
    %or3A_333 = arith.ori %bitcast_convert_type3A_326, %or3A_332 : vector<2048x128xi32>
    %add3A_334 = arith.constant 0 : i32
    %add3A_335 = arith.addi %add3A_330, %add3A_334 : i32
    %sub3A_336 = arith.constant 2047 : i32
    %sub3A_337 = arith.subi %sub3A_336, %add3A_335 : i32
    %xor3A_338 = arith.constant 2047 : i32
    %xor3A_339 = arith.xori %xor3A_338, %sub3A_337 : i32
    %xor3A_340 = vector.broadcast %xor3A_339 : i32 to vector<2048x128xi32>
    %xor3A_341 = arith.xori %or3A_333, %xor3A_340 : vector<2048x128xi32>
    %bitcast_convert_type3A_342 = tpu.bitcast %xor3A_341 : vector<2048x128xi32> -> vector<2048x128xf32>
    %slice3A_343 = vector.extract_strided_slice %dot_general3A_324 {offsets = [0, 128], sizes = [2048, 128], strides = [1, 1]} : vector<2048x1024xf32> to vector<2048x128xf32>
    %bitcast_convert_type3A_344 = tpu.bitcast %slice3A_343 : vector<2048x128xf32> -> vector<2048x128xi32>
    %mul3A_345 = arith.constant 32 : i32
    %mul3A_346 = arith.muli %arg0, %mul3A_345 : i32
    %add3A_347 = arith.constant 16 : i32
    %add3A_348 = arith.addi %mul3A_346, %add3A_347 : i32
    %or3A_349 = arith.constant 2047 : i32
    %or3A_350 = vector.broadcast %or3A_349 : i32 to vector<2048x128xi32>
    %or3A_351 = arith.ori %bitcast_convert_type3A_344, %or3A_350 : vector<2048x128xi32>
    %add3A_352 = arith.constant 1 : i32
    %add3A_353 = arith.addi %add3A_348, %add3A_352 : i32
    %sub3A_354 = arith.constant 2047 : i32
    %sub3A_355 = arith.subi %sub3A_354, %add3A_353 : i32
    %xor3A_356 = arith.constant 2047 : i32
    %xor3A_357 = arith.xori %xor3A_356, %sub3A_355 : i32
    %xor3A_358 = vector.broadcast %xor3A_357 : i32 to vector<2048x128xi32>
    %xor3A_359 = arith.xori %or3A_351, %xor3A_358 : vector<2048x128xi32>
    %bitcast_convert_type3A_360 = tpu.bitcast %xor3A_359 : vector<2048x128xi32> -> vector<2048x128xf32>
    %slice3A_361 = vector.extract_strided_slice %dot_general3A_324 {offsets = [0, 256], sizes = [2048, 128], strides = [1, 1]} : vector<2048x1024xf32> to vector<2048x128xf32>
    %bitcast_convert_type3A_362 = tpu.bitcast %slice3A_361 : vector<2048x128xf32> -> vector<2048x128xi32>
    %mul3A_363 = arith.constant 32 : i32
    %mul3A_364 = arith.muli %arg0, %mul3A_363 : i32
    %add3A_365 = arith.constant 16 : i32
    %add3A_366 = arith.addi %mul3A_364, %add3A_365 : i32
    %or3A_367 = arith.constant 2047 : i32
    %or3A_368 = vector.broadcast %or3A_367 : i32 to vector<2048x128xi32>
    %or3A_369 = arith.ori %bitcast_convert_type3A_362, %or3A_368 : vector<2048x128xi32>
    %add3A_370 = arith.constant 2 : i32
    %add3A_371 = arith.addi %add3A_366, %add3A_370 : i32
    %sub3A_372 = arith.constant 2047 : i32
    %sub3A_373 = arith.subi %sub3A_372, %add3A_371 : i32
    %xor3A_374 = arith.constant 2047 : i32
    %xor3A_375 = arith.xori %xor3A_374, %sub3A_373 : i32
    %xor3A_376 = vector.broadcast %xor3A_375 : i32 to vector<2048x128xi32>
    %xor3A_377 = arith.xori %or3A_369, %xor3A_376 : vector<2048x128xi32>
    %bitcast_convert_type3A_378 = tpu.bitcast %xor3A_377 : vector<2048x128xi32> -> vector<2048x128xf32>
    %slice3A_379 = vector.extract_strided_slice %dot_general3A_324 {offsets = [0, 384], sizes = [2048, 128], strides = [1, 1]} : vector<2048x1024xf32> to vector<2048x128xf32>
    %bitcast_convert_type3A_380 = tpu.bitcast %slice3A_379 : vector<2048x128xf32> -> vector<2048x128xi32>
    %mul3A_381 = arith.constant 32 : i32
    %mul3A_382 = arith.muli %arg0, %mul3A_381 : i32
    %add3A_383 = arith.constant 16 : i32
    %add3A_384 = arith.addi %mul3A_382, %add3A_383 : i32
    %or3A_385 = arith.constant 2047 : i32
    %or3A_386 = vector.broadcast %or3A_385 : i32 to vector<2048x128xi32>
    %or3A_387 = arith.ori %bitcast_convert_type3A_380, %or3A_386 : vector<2048x128xi32>
    %add3A_388 = arith.constant 3 : i32
    %add3A_389 = arith.addi %add3A_384, %add3A_388 : i32
    %sub3A_390 = arith.constant 2047 : i32
    %sub3A_391 = arith.subi %sub3A_390, %add3A_389 : i32
    %xor3A_392 = arith.constant 2047 : i32
    %xor3A_393 = arith.xori %xor3A_392, %sub3A_391 : i32
    %xor3A_394 = vector.broadcast %xor3A_393 : i32 to vector<2048x128xi32>
    %xor3A_395 = arith.xori %or3A_387, %xor3A_394 : vector<2048x128xi32>
    %bitcast_convert_type3A_396 = tpu.bitcast %xor3A_395 : vector<2048x128xi32> -> vector<2048x128xf32>
    %slice3A_397 = vector.extract_strided_slice %dot_general3A_324 {offsets = [0, 512], sizes = [2048, 128], strides = [1, 1]} : vector<2048x1024xf32> to vector<2048x128xf32>
    %bitcast_convert_type3A_398 = tpu.bitcast %slice3A_397 : vector<2048x128xf32> -> vector<2048x128xi32>
    %mul3A_399 = arith.constant 32 : i32
    %mul3A_400 = arith.muli %arg0, %mul3A_399 : i32
    %add3A_401 = arith.constant 16 : i32
    %add3A_402 = arith.addi %mul3A_400, %add3A_401 : i32
    %or3A_403 = arith.constant 2047 : i32
    %or3A_404 = vector.broadcast %or3A_403 : i32 to vector<2048x128xi32>
    %or3A_405 = arith.ori %bitcast_convert_type3A_398, %or3A_404 : vector<2048x128xi32>
    %add3A_406 = arith.constant 4 : i32
    %add3A_407 = arith.addi %add3A_402, %add3A_406 : i32
    %sub3A_408 = arith.constant 2047 : i32
    %sub3A_409 = arith.subi %sub3A_408, %add3A_407 : i32
    %xor3A_410 = arith.constant 2047 : i32
    %xor3A_411 = arith.xori %xor3A_410, %sub3A_409 : i32
    %xor3A_412 = vector.broadcast %xor3A_411 : i32 to vector<2048x128xi32>
    %xor3A_413 = arith.xori %or3A_405, %xor3A_412 : vector<2048x128xi32>
    %bitcast_convert_type3A_414 = tpu.bitcast %xor3A_413 : vector<2048x128xi32> -> vector<2048x128xf32>
    %slice3A_415 = vector.extract_strided_slice %dot_general3A_324 {offsets = [0, 640], sizes = [2048, 128], strides = [1, 1]} : vector<2048x1024xf32> to vector<2048x128xf32>
    %bitcast_convert_type3A_416 = tpu.bitcast %slice3A_415 : vector<2048x128xf32> -> vector<2048x128xi32>
    %mul3A_417 = arith.constant 32 : i32
    %mul3A_418 = arith.muli %arg0, %mul3A_417 : i32
    %add3A_419 = arith.constant 16 : i32
    %add3A_420 = arith.addi %mul3A_418, %add3A_419 : i32
    %or3A_421 = arith.constant 2047 : i32
    %or3A_422 = vector.broadcast %or3A_421 : i32 to vector<2048x128xi32>
    %or3A_423 = arith.ori %bitcast_convert_type3A_416, %or3A_422 : vector<2048x128xi32>
    %add3A_424 = arith.constant 5 : i32
    %add3A_425 = arith.addi %add3A_420, %add3A_424 : i32
    %sub3A_426 = arith.constant 2047 : i32
    %sub3A_427 = arith.subi %sub3A_426, %add3A_425 : i32
    %xor3A_428 = arith.constant 2047 : i32
    %xor3A_429 = arith.xori %xor3A_428, %sub3A_427 : i32
    %xor3A_430 = vector.broadcast %xor3A_429 : i32 to vector<2048x128xi32>
    %xor3A_431 = arith.xori %or3A_423, %xor3A_430 : vector<2048x128xi32>
    %bitcast_convert_type3A_432 = tpu.bitcast %xor3A_431 : vector<2048x128xi32> -> vector<2048x128xf32>
    %slice3A_433 = vector.extract_strided_slice %dot_general3A_324 {offsets = [0, 768], sizes = [2048, 128], strides = [1, 1]} : vector<2048x1024xf32> to vector<2048x128xf32>
    %bitcast_convert_type3A_434 = tpu.bitcast %slice3A_433 : vector<2048x128xf32> -> vector<2048x128xi32>
    %mul3A_435 = arith.constant 32 : i32
    %mul3A_436 = arith.muli %arg0, %mul3A_435 : i32
    %add3A_437 = arith.constant 16 : i32
    %add3A_438 = arith.addi %mul3A_436, %add3A_437 : i32
    %or3A_439 = arith.constant 2047 : i32
    %or3A_440 = vector.broadcast %or3A_439 : i32 to vector<2048x128xi32>
    %or3A_441 = arith.ori %bitcast_convert_type3A_434, %or3A_440 : vector<2048x128xi32>
    %add3A_442 = arith.constant 6 : i32
    %add3A_443 = arith.addi %add3A_438, %add3A_442 : i32
    %sub3A_444 = arith.constant 2047 : i32
    %sub3A_445 = arith.subi %sub3A_444, %add3A_443 : i32
    %xor3A_446 = arith.constant 2047 : i32
    %xor3A_447 = arith.xori %xor3A_446, %sub3A_445 : i32
    %xor3A_448 = vector.broadcast %xor3A_447 : i32 to vector<2048x128xi32>
    %xor3A_449 = arith.xori %or3A_441, %xor3A_448 : vector<2048x128xi32>
    %bitcast_convert_type3A_450 = tpu.bitcast %xor3A_449 : vector<2048x128xi32> -> vector<2048x128xf32>
    %slice3A_451 = vector.extract_strided_slice %dot_general3A_324 {offsets = [0, 896], sizes = [2048, 128], strides = [1, 1]} : vector<2048x1024xf32> to vector<2048x128xf32>
    %bitcast_convert_type3A_452 = tpu.bitcast %slice3A_451 : vector<2048x128xf32> -> vector<2048x128xi32>
    %mul3A_453 = arith.constant 32 : i32
    %mul3A_454 = arith.muli %arg0, %mul3A_453 : i32
    %add3A_455 = arith.constant 16 : i32
    %add3A_456 = arith.addi %mul3A_454, %add3A_455 : i32
    %or3A_457 = arith.constant 2047 : i32
    %or3A_458 = vector.broadcast %or3A_457 : i32 to vector<2048x128xi32>
    %or3A_459 = arith.ori %bitcast_convert_type3A_452, %or3A_458 : vector<2048x128xi32>
    %add3A_460 = arith.constant 7 : i32
    %add3A_461 = arith.addi %add3A_456, %add3A_460 : i32
    %sub3A_462 = arith.constant 2047 : i32
    %sub3A_463 = arith.subi %sub3A_462, %add3A_461 : i32
    %xor3A_464 = arith.constant 2047 : i32
    %xor3A_465 = arith.xori %xor3A_464, %sub3A_463 : i32
    %xor3A_466 = vector.broadcast %xor3A_465 : i32 to vector<2048x128xi32>
    %xor3A_467 = arith.xori %or3A_459, %xor3A_466 : vector<2048x128xi32>
    %bitcast_convert_type3A_468 = tpu.bitcast %xor3A_467 : vector<2048x128xi32> -> vector<2048x128xf32>
    %max3A_469 = arith.maximumf %bitcast_convert_type3A_342, %bitcast_convert_type3A_360 : vector<2048x128xf32>
    %max3A_470 = arith.maximumf %bitcast_convert_type3A_378, %bitcast_convert_type3A_396 : vector<2048x128xf32>
    %max3A_471 = arith.maximumf %bitcast_convert_type3A_414, %bitcast_convert_type3A_432 : vector<2048x128xf32>
    %max3A_472 = arith.maximumf %bitcast_convert_type3A_450, %bitcast_convert_type3A_468 : vector<2048x128xf32>
    %max3A_473 = arith.maximumf %max3A_469, %max3A_470 : vector<2048x128xf32>
    %max3A_474 = arith.maximumf %max3A_471, %max3A_472 : vector<2048x128xf32>
    %max3A_475 = arith.maximumf %max3A_473, %max3A_474 : vector<2048x128xf32>
    %get3A_476 = arith.constant 0 : index
    %get3A_477 = arith.constant 0 : index
    %get3A_478 = vector.load %arg1[%get3A_476, %get3A_477] : memref<2048x64xbf16, #tpu.memory_space<vmem>>, vector<2048x64xbf16>
    %slice3A_479 = vector.extract_strided_slice %convert_element_type3A_11 {offsets = [3072, 0], sizes = [1024, 64], strides = [1, 1]} : vector<4096x64xbf16> to vector<1024x64xbf16>
    %dot_general3A_480 = arith.constant dense<0.000000e+00> : vector<2048x1024xf32>
    %dot_general3A_481 = tpu.matmul %get3A_478, %slice3A_479, %dot_general3A_480 {dimension_numbers = #tpu.dot_dimension_numbers<[1], [1], [0], [0], [0, 0, 1, 0], [], []>, transpose_lhs_hint = false} : vector<2048x64xbf16>, vector<1024x64xbf16>, vector<2048x1024xf32> -> vector<2048x1024xf32>
    %slice3A_482 = vector.extract_strided_slice %dot_general3A_481 {offsets = [0, 0], sizes = [2048, 128], strides = [1, 1]} : vector<2048x1024xf32> to vector<2048x128xf32>
    %bitcast_convert_type3A_483 = tpu.bitcast %slice3A_482 : vector<2048x128xf32> -> vector<2048x128xi32>
    %mul3A_484 = arith.constant 32 : i32
    %mul3A_485 = arith.muli %arg0, %mul3A_484 : i32
    %add3A_486 = arith.constant 24 : i32
    %add3A_487 = arith.addi %mul3A_485, %add3A_486 : i32
    %or3A_488 = arith.constant 2047 : i32
    %or3A_489 = vector.broadcast %or3A_488 : i32 to vector<2048x128xi32>
    %or3A_490 = arith.ori %bitcast_convert_type3A_483, %or3A_489 : vector<2048x128xi32>
    %add3A_491 = arith.constant 0 : i32
    %add3A_492 = arith.addi %add3A_487, %add3A_491 : i32
    %sub3A_493 = arith.constant 2047 : i32
    %sub3A_494 = arith.subi %sub3A_493, %add3A_492 : i32
    %xor3A_495 = arith.constant 2047 : i32
    %xor3A_496 = arith.xori %xor3A_495, %sub3A_494 : i32
    %xor3A_497 = vector.broadcast %xor3A_496 : i32 to vector<2048x128xi32>
    %xor3A_498 = arith.xori %or3A_490, %xor3A_497 : vector<2048x128xi32>
    %bitcast_convert_type3A_499 = tpu.bitcast %xor3A_498 : vector<2048x128xi32> -> vector<2048x128xf32>
    %slice3A_500 = vector.extract_strided_slice %dot_general3A_481 {offsets = [0, 128], sizes = [2048, 128], strides = [1, 1]} : vector<2048x1024xf32> to vector<2048x128xf32>
    %bitcast_convert_type3A_501 = tpu.bitcast %slice3A_500 : vector<2048x128xf32> -> vector<2048x128xi32>
    %mul3A_502 = arith.constant 32 : i32
    %mul3A_503 = arith.muli %arg0, %mul3A_502 : i32
    %add3A_504 = arith.constant 24 : i32
    %add3A_505 = arith.addi %mul3A_503, %add3A_504 : i32
    %or3A_506 = arith.constant 2047 : i32
    %or3A_507 = vector.broadcast %or3A_506 : i32 to vector<2048x128xi32>
    %or3A_508 = arith.ori %bitcast_convert_type3A_501, %or3A_507 : vector<2048x128xi32>
    %add3A_509 = arith.constant 1 : i32
    %add3A_510 = arith.addi %add3A_505, %add3A_509 : i32
    %sub3A_511 = arith.constant 2047 : i32
    %sub3A_512 = arith.subi %sub3A_511, %add3A_510 : i32
    %xor3A_513 = arith.constant 2047 : i32
    %xor3A_514 = arith.xori %xor3A_513, %sub3A_512 : i32
    %xor3A_515 = vector.broadcast %xor3A_514 : i32 to vector<2048x128xi32>
    %xor3A_516 = arith.xori %or3A_508, %xor3A_515 : vector<2048x128xi32>
    %bitcast_convert_type3A_517 = tpu.bitcast %xor3A_516 : vector<2048x128xi32> -> vector<2048x128xf32>
    %slice3A_518 = vector.extract_strided_slice %dot_general3A_481 {offsets = [0, 256], sizes = [2048, 128], strides = [1, 1]} : vector<2048x1024xf32> to vector<2048x128xf32>
    %bitcast_convert_type3A_519 = tpu.bitcast %slice3A_518 : vector<2048x128xf32> -> vector<2048x128xi32>
    %mul3A_520 = arith.constant 32 : i32
    %mul3A_521 = arith.muli %arg0, %mul3A_520 : i32
    %add3A_522 = arith.constant 24 : i32
    %add3A_523 = arith.addi %mul3A_521, %add3A_522 : i32
    %or3A_524 = arith.constant 2047 : i32
    %or3A_525 = vector.broadcast %or3A_524 : i32 to vector<2048x128xi32>
    %or3A_526 = arith.ori %bitcast_convert_type3A_519, %or3A_525 : vector<2048x128xi32>
    %add3A_527 = arith.constant 2 : i32
    %add3A_528 = arith.addi %add3A_523, %add3A_527 : i32
    %sub3A_529 = arith.constant 2047 : i32
    %sub3A_530 = arith.subi %sub3A_529, %add3A_528 : i32
    %xor3A_531 = arith.constant 2047 : i32
    %xor3A_532 = arith.xori %xor3A_531, %sub3A_530 : i32
    %xor3A_533 = vector.broadcast %xor3A_532 : i32 to vector<2048x128xi32>
    %xor3A_534 = arith.xori %or3A_526, %xor3A_533 : vector<2048x128xi32>
    %bitcast_convert_type3A_535 = tpu.bitcast %xor3A_534 : vector<2048x128xi32> -> vector<2048x128xf32>
    %slice3A_536 = vector.extract_strided_slice %dot_general3A_481 {offsets = [0, 384], sizes = [2048, 128], strides = [1, 1]} : vector<2048x1024xf32> to vector<2048x128xf32>
    %bitcast_convert_type3A_537 = tpu.bitcast %slice3A_536 : vector<2048x128xf32> -> vector<2048x128xi32>
    %mul3A_538 = arith.constant 32 : i32
    %mul3A_539 = arith.muli %arg0, %mul3A_538 : i32
    %add3A_540 = arith.constant 24 : i32
    %add3A_541 = arith.addi %mul3A_539, %add3A_540 : i32
    %or3A_542 = arith.constant 2047 : i32
    %or3A_543 = vector.broadcast %or3A_542 : i32 to vector<2048x128xi32>
    %or3A_544 = arith.ori %bitcast_convert_type3A_537, %or3A_543 : vector<2048x128xi32>
    %add3A_545 = arith.constant 3 : i32
    %add3A_546 = arith.addi %add3A_541, %add3A_545 : i32
    %sub3A_547 = arith.constant 2047 : i32
    %sub3A_548 = arith.subi %sub3A_547, %add3A_546 : i32
    %xor3A_549 = arith.constant 2047 : i32
    %xor3A_550 = arith.xori %xor3A_549, %sub3A_548 : i32
    %xor3A_551 = vector.broadcast %xor3A_550 : i32 to vector<2048x128xi32>
    %xor3A_552 = arith.xori %or3A_544, %xor3A_551 : vector<2048x128xi32>
    %bitcast_convert_type3A_553 = tpu.bitcast %xor3A_552 : vector<2048x128xi32> -> vector<2048x128xf32>
    %slice3A_554 = vector.extract_strided_slice %dot_general3A_481 {offsets = [0, 512], sizes = [2048, 128], strides = [1, 1]} : vector<2048x1024xf32> to vector<2048x128xf32>
    %bitcast_convert_type3A_555 = tpu.bitcast %slice3A_554 : vector<2048x128xf32> -> vector<2048x128xi32>
    %mul3A_556 = arith.constant 32 : i32
    %mul3A_557 = arith.muli %arg0, %mul3A_556 : i32
    %add3A_558 = arith.constant 24 : i32
    %add3A_559 = arith.addi %mul3A_557, %add3A_558 : i32
    %or3A_560 = arith.constant 2047 : i32
    %or3A_561 = vector.broadcast %or3A_560 : i32 to vector<2048x128xi32>
    %or3A_562 = arith.ori %bitcast_convert_type3A_555, %or3A_561 : vector<2048x128xi32>
    %add3A_563 = arith.constant 4 : i32
    %add3A_564 = arith.addi %add3A_559, %add3A_563 : i32
    %sub3A_565 = arith.constant 2047 : i32
    %sub3A_566 = arith.subi %sub3A_565, %add3A_564 : i32
    %xor3A_567 = arith.constant 2047 : i32
    %xor3A_568 = arith.xori %xor3A_567, %sub3A_566 : i32
    %xor3A_569 = vector.broadcast %xor3A_568 : i32 to vector<2048x128xi32>
    %xor3A_570 = arith.xori %or3A_562, %xor3A_569 : vector<2048x128xi32>
    %bitcast_convert_type3A_571 = tpu.bitcast %xor3A_570 : vector<2048x128xi32> -> vector<2048x128xf32>
    %slice3A_572 = vector.extract_strided_slice %dot_general3A_481 {offsets = [0, 640], sizes = [2048, 128], strides = [1, 1]} : vector<2048x1024xf32> to vector<2048x128xf32>
    %bitcast_convert_type3A_573 = tpu.bitcast %slice3A_572 : vector<2048x128xf32> -> vector<2048x128xi32>
    %mul3A_574 = arith.constant 32 : i32
    %mul3A_575 = arith.muli %arg0, %mul3A_574 : i32
    %add3A_576 = arith.constant 24 : i32
    %add3A_577 = arith.addi %mul3A_575, %add3A_576 : i32
    %or3A_578 = arith.constant 2047 : i32
    %or3A_579 = vector.broadcast %or3A_578 : i32 to vector<2048x128xi32>
    %or3A_580 = arith.ori %bitcast_convert_type3A_573, %or3A_579 : vector<2048x128xi32>
    %add3A_581 = arith.constant 5 : i32
    %add3A_582 = arith.addi %add3A_577, %add3A_581 : i32
    %sub3A_583 = arith.constant 2047 : i32
    %sub3A_584 = arith.subi %sub3A_583, %add3A_582 : i32
    %xor3A_585 = arith.constant 2047 : i32
    %xor3A_586 = arith.xori %xor3A_585, %sub3A_584 : i32
    %xor3A_587 = vector.broadcast %xor3A_586 : i32 to vector<2048x128xi32>
    %xor3A_588 = arith.xori %or3A_580, %xor3A_587 : vector<2048x128xi32>
    %bitcast_convert_type3A_589 = tpu.bitcast %xor3A_588 : vector<2048x128xi32> -> vector<2048x128xf32>
    %slice3A_590 = vector.extract_strided_slice %dot_general3A_481 {offsets = [0, 768], sizes = [2048, 128], strides = [1, 1]} : vector<2048x1024xf32> to vector<2048x128xf32>
    %bitcast_convert_type3A_591 = tpu.bitcast %slice3A_590 : vector<2048x128xf32> -> vector<2048x128xi32>
    %mul3A_592 = arith.constant 32 : i32
    %mul3A_593 = arith.muli %arg0, %mul3A_592 : i32
    %add3A_594 = arith.constant 24 : i32
    %add3A_595 = arith.addi %mul3A_593, %add3A_594 : i32
    %or3A_596 = arith.constant 2047 : i32
    %or3A_597 = vector.broadcast %or3A_596 : i32 to vector<2048x128xi32>
    %or3A_598 = arith.ori %bitcast_convert_type3A_591, %or3A_597 : vector<2048x128xi32>
    %add3A_599 = arith.constant 6 : i32
    %add3A_600 = arith.addi %add3A_595, %add3A_599 : i32
    %sub3A_601 = arith.constant 2047 : i32
    %sub3A_602 = arith.subi %sub3A_601, %add3A_600 : i32
    %xor3A_603 = arith.constant 2047 : i32
    %xor3A_604 = arith.xori %xor3A_603, %sub3A_602 : i32
    %xor3A_605 = vector.broadcast %xor3A_604 : i32 to vector<2048x128xi32>
    %xor3A_606 = arith.xori %or3A_598, %xor3A_605 : vector<2048x128xi32>
    %bitcast_convert_type3A_607 = tpu.bitcast %xor3A_606 : vector<2048x128xi32> -> vector<2048x128xf32>
    %slice3A_608 = vector.extract_strided_slice %dot_general3A_481 {offsets = [0, 896], sizes = [2048, 128], strides = [1, 1]} : vector<2048x1024xf32> to vector<2048x128xf32>
    %bitcast_convert_type3A_609 = tpu.bitcast %slice3A_608 : vector<2048x128xf32> -> vector<2048x128xi32>
    %mul3A_610 = arith.constant 32 : i32
    %mul3A_611 = arith.muli %arg0, %mul3A_610 : i32
    %add3A_612 = arith.constant 24 : i32
    %add3A_613 = arith.addi %mul3A_611, %add3A_612 : i32
    %or3A_614 = arith.constant 2047 : i32
    %or3A_615 = vector.broadcast %or3A_614 : i32 to vector<2048x128xi32>
    %or3A_616 = arith.ori %bitcast_convert_type3A_609, %or3A_615 : vector<2048x128xi32>
    %add3A_617 = arith.constant 7 : i32
    %add3A_618 = arith.addi %add3A_613, %add3A_617 : i32
    %sub3A_619 = arith.constant 2047 : i32
    %sub3A_620 = arith.subi %sub3A_619, %add3A_618 : i32
    %xor3A_621 = arith.constant 2047 : i32
    %xor3A_622 = arith.xori %xor3A_621, %sub3A_620 : i32
    %xor3A_623 = vector.broadcast %xor3A_622 : i32 to vector<2048x128xi32>
    %xor3A_624 = arith.xori %or3A_616, %xor3A_623 : vector<2048x128xi32>
    %bitcast_convert_type3A_625 = tpu.bitcast %xor3A_624 : vector<2048x128xi32> -> vector<2048x128xf32>
    %max3A_626 = arith.maximumf %bitcast_convert_type3A_499, %bitcast_convert_type3A_517 : vector<2048x128xf32>
    %max3A_627 = arith.maximumf %bitcast_convert_type3A_535, %bitcast_convert_type3A_553 : vector<2048x128xf32>
    %max3A_628 = arith.maximumf %bitcast_convert_type3A_571, %bitcast_convert_type3A_589 : vector<2048x128xf32>
    %max3A_629 = arith.maximumf %bitcast_convert_type3A_607, %bitcast_convert_type3A_625 : vector<2048x128xf32>
    %max3A_630 = arith.maximumf %max3A_626, %max3A_627 : vector<2048x128xf32>
    %max3A_631 = arith.maximumf %max3A_628, %max3A_629 : vector<2048x128xf32>
    %max3A_632 = arith.maximumf %max3A_630, %max3A_631 : vector<2048x128xf32>
    %max3A_633 = arith.maximumf %max3A_161, %max3A_318 : vector<2048x128xf32>
    %max3A_634 = arith.maximumf %max3A_475, %max3A_632 : vector<2048x128xf32>
    %max3A_635 = arith.maximumf %max3A_633, %max3A_634 : vector<2048x128xf32>
    %get3A_636 = arith.constant 0 : index
    %get3A_637 = arith.constant 0 : index
    %get3A_638 = vector.load %arg3[%get3A_636, %get3A_637] : memref<2048x128xf32, #tpu.memory_space<vmem>>, vector<2048x128xf32>
    %max3A_639 = arith.maximumf %get3A_638, %max3A_635 : vector<2048x128xf32>
    %swap3A = arith.constant 0 : index
    %swap3A_640 = arith.constant 0 : index
    %swap3A_641 = vector.load %arg3[%swap3A, %swap3A_640] : memref<2048x128xf32, #tpu.memory_space<vmem>>, vector<2048x128xf32>
    tpu.vector_store %arg3[%swap3A, %swap3A_640], %max3A_639 {strides = array<i32>} : memref<2048x128xf32, #tpu.memory_space<vmem>>, vector<2048x128xf32>,
    return
  }
  func.func @transform_0(%arg0: i32) -> (i32, i32) {
    %c0_i32 = arith.constant 0 : i32
    %c0_i32_0 = arith.constant 0 : i32
    %c0_i32_1 = arith.constant 0 : i32
    return %c0_i32, %c0_i32_0 : i32, i32
  }
  func.func @transform_1(%arg0: i32) -> (i32, i32) {
    %c0_i32 = arith.constant 0 : i32
    %c0_i32_0 = arith.constant 0 : i32
    return %arg0, %c0_i32 : i32, i32
  }
  func.func @transform_2(%arg0: i32) -> (i32, i32) {
    %c0_i32 = arith.constant 0 : i32
    %c0_i32_0 = arith.constant 0 : i32
    %c0_i32_1 = arith.constant 0 : i32
    return %c0_i32, %c0_i32_0 : i32, i32
  }
}

module attributes {stable_mosaic.version = 14 : i64} {
  func.func @_extract_body(%arg0: memref<2048x128xf32, #tpu.memory_space<vmem>>, %arg1: memref<2048x4xf32, #tpu.memory_space<vmem>>, %arg2: memref<2048x4xi32, #tpu.memory_space<vmem>>) attributes {dimension_semantics = [], scalar_prefetch = 0 : i64, scratch_operands = 0 : i64, tpu.core_type = #tpu.core_type<tc>} {
    %get3A = arith.constant 0 : index
    %get3A_0 = arith.constant 0 : index
    %get3A_1 = vector.load %arg0[%get3A, %get3A_0] : memref<2048x128xf32, #tpu.memory_space<vmem>>, vector<2048x128xf32>
    %iota3A = tpu.iota {dimensions = array<i32: 1>} : vector<2048x128xi32>
    %reduce_max3A = arith.constant dense<0xFF800000> : vector<2048xf32>
    %reduce_max3A_2 = vector.multi_reduction <maximumf>, %get3A_1, %reduce_max3A [1] : vector<2048x128xf32> to vector<2048xf32>
    %broadcast_in_dim3A = vector.shape_cast %reduce_max3A_2 : vector<2048xf32> to vector<2048x1xf32>
    %bitcast_convert_type3A = tpu.bitcast %broadcast_in_dim3A : vector<2048x1xf32> -> vector<2048x1xi32>
    %and3A = arith.constant -2048 : i32
    %and3A_3 = vector.broadcast %and3A : i32 to vector<2048x1xi32>
    %and3A_4 = arith.andi %bitcast_convert_type3A, %and3A_3 : vector<2048x1xi32>
    %bitcast_convert_type3A_5 = tpu.bitcast %and3A_4 : vector<2048x1xi32> -> vector<2048x1xf32>
    %and3A_6 = arith.constant 2047 : i32
    %and3A_7 = vector.broadcast %and3A_6 : i32 to vector<2048x1xi32>
    %and3A_8 = arith.andi %bitcast_convert_type3A, %and3A_7 : vector<2048x1xi32>
    %sub3A = arith.constant 2047 : i32
    %sub3A_9 = vector.broadcast %sub3A : i32 to vector<2048x1xi32>
    %sub3A_10 = arith.subi %sub3A_9, %and3A_8 : vector<2048x1xi32>
    %eq3A = vector.broadcast %broadcast_in_dim3A : vector<2048x1xf32> to vector<2048x128xf32>
    %eq3A_11 = arith.cmpf oeq, %get3A_1, %eq3A : vector<2048x128xf32>
    %jit3A = arith.constant 128 : i32
    %broadcast_in_dim3A_12 = vector.broadcast %jit3A : i32 to vector<2048x128xi32>
    %select_n3A = arith.select %eq3A_11, %iota3A, %broadcast_in_dim3A_12 : vector<2048x128xi1>, vector<2048x128xi32>
    %reduce_min3A = arith.constant dense<2147483647> : vector<2048xi32>
    %reduce_min3A_13 = vector.multi_reduction <minsi>, %select_n3A, %reduce_min3A [1] : vector<2048x128xi32> to vector<2048xi32>
    %broadcast_in_dim3A_14 = vector.shape_cast %reduce_min3A_13 : vector<2048xi32> to vector<2048x1xi32>
    %mul3A = arith.constant 128 : i32
    %mul3A_15 = vector.broadcast %mul3A : i32 to vector<2048x1xi32>
    %mul3A_16 = arith.muli %sub3A_10, %mul3A_15 : vector<2048x1xi32>
    %add3A = arith.addi %mul3A_16, %broadcast_in_dim3A_14 : vector<2048x1xi32>
    %min3A = arith.constant 99999 : i32
    %min3A_17 = vector.broadcast %min3A : i32 to vector<2048x1xi32>
    %min3A_18 = arith.minsi %add3A, %min3A_17 : vector<2048x1xi32>
    %eq3A_19 = vector.broadcast %broadcast_in_dim3A_14 : vector<2048x1xi32> to vector<2048x128xi32>
    %eq3A_20 = arith.cmpi eq, %iota3A, %eq3A_19 : vector<2048x128xi32>
    %and3A_21 = arith.andi %eq3A_11, %eq3A_20 : vector<2048x128xi1>
    %jit3A_22 = arith.constant 0xFF800000 : f32
    %broadcast_in_dim3A_23 = vector.broadcast %jit3A_22 : f32 to vector<2048x128xf32>
    %select_n3A_24 = arith.select %and3A_21, %broadcast_in_dim3A_23, %get3A_1 : vector<2048x128xi1>, vector<2048x128xf32>
    %reduce_max3A_25 = arith.constant dense<0xFF800000> : vector<2048xf32>
    %reduce_max3A_26 = vector.multi_reduction <maximumf>, %select_n3A_24, %reduce_max3A_25 [1] : vector<2048x128xf32> to vector<2048xf32>
    %broadcast_in_dim3A_27 = vector.shape_cast %reduce_max3A_26 : vector<2048xf32> to vector<2048x1xf32>
    %bitcast_convert_type3A_28 = tpu.bitcast %broadcast_in_dim3A_27 : vector<2048x1xf32> -> vector<2048x1xi32>
    %and3A_29 = arith.constant -2048 : i32
    %and3A_30 = vector.broadcast %and3A_29 : i32 to vector<2048x1xi32>
    %and3A_31 = arith.andi %bitcast_convert_type3A_28, %and3A_30 : vector<2048x1xi32>
    %bitcast_convert_type3A_32 = tpu.bitcast %and3A_31 : vector<2048x1xi32> -> vector<2048x1xf32>
    %and3A_33 = arith.constant 2047 : i32
    %and3A_34 = vector.broadcast %and3A_33 : i32 to vector<2048x1xi32>
    %and3A_35 = arith.andi %bitcast_convert_type3A_28, %and3A_34 : vector<2048x1xi32>
    %sub3A_36 = arith.constant 2047 : i32
    %sub3A_37 = vector.broadcast %sub3A_36 : i32 to vector<2048x1xi32>
    %sub3A_38 = arith.subi %sub3A_37, %and3A_35 : vector<2048x1xi32>
    %eq3A_39 = vector.broadcast %broadcast_in_dim3A_27 : vector<2048x1xf32> to vector<2048x128xf32>
    %eq3A_40 = arith.cmpf oeq, %select_n3A_24, %eq3A_39 : vector<2048x128xf32>
    %jit3A_41 = arith.constant 128 : i32
    %broadcast_in_dim3A_42 = vector.broadcast %jit3A_41 : i32 to vector<2048x128xi32>
    %select_n3A_43 = arith.select %eq3A_40, %iota3A, %broadcast_in_dim3A_42 : vector<2048x128xi1>, vector<2048x128xi32>
    %reduce_min3A_44 = arith.constant dense<2147483647> : vector<2048xi32>
    %reduce_min3A_45 = vector.multi_reduction <minsi>, %select_n3A_43, %reduce_min3A_44 [1] : vector<2048x128xi32> to vector<2048xi32>
    %broadcast_in_dim3A_46 = vector.shape_cast %reduce_min3A_45 : vector<2048xi32> to vector<2048x1xi32>
    %mul3A_47 = arith.constant 128 : i32
    %mul3A_48 = vector.broadcast %mul3A_47 : i32 to vector<2048x1xi32>
    %mul3A_49 = arith.muli %sub3A_38, %mul3A_48 : vector<2048x1xi32>
    %add3A_50 = arith.addi %mul3A_49, %broadcast_in_dim3A_46 : vector<2048x1xi32>
    %min3A_51 = arith.constant 99999 : i32
    %min3A_52 = vector.broadcast %min3A_51 : i32 to vector<2048x1xi32>
    %min3A_53 = arith.minsi %add3A_50, %min3A_52 : vector<2048x1xi32>
    %eq3A_54 = vector.broadcast %broadcast_in_dim3A_46 : vector<2048x1xi32> to vector<2048x128xi32>
    %eq3A_55 = arith.cmpi eq, %iota3A, %eq3A_54 : vector<2048x128xi32>
    %and3A_56 = arith.andi %eq3A_40, %eq3A_55 : vector<2048x128xi1>
    %jit3A_57 = arith.constant 0xFF800000 : f32
    %broadcast_in_dim3A_58 = vector.broadcast %jit3A_57 : f32 to vector<2048x128xf32>
    %select_n3A_59 = arith.select %and3A_56, %broadcast_in_dim3A_58, %select_n3A_24 : vector<2048x128xi1>, vector<2048x128xf32>
    %reduce_max3A_60 = arith.constant dense<0xFF800000> : vector<2048xf32>
    %reduce_max3A_61 = vector.multi_reduction <maximumf>, %select_n3A_59, %reduce_max3A_60 [1] : vector<2048x128xf32> to vector<2048xf32>
    %broadcast_in_dim3A_62 = vector.shape_cast %reduce_max3A_61 : vector<2048xf32> to vector<2048x1xf32>
    %bitcast_convert_type3A_63 = tpu.bitcast %broadcast_in_dim3A_62 : vector<2048x1xf32> -> vector<2048x1xi32>
    %and3A_64 = arith.constant -2048 : i32
    %and3A_65 = vector.broadcast %and3A_64 : i32 to vector<2048x1xi32>
    %and3A_66 = arith.andi %bitcast_convert_type3A_63, %and3A_65 : vector<2048x1xi32>
    %bitcast_convert_type3A_67 = tpu.bitcast %and3A_66 : vector<2048x1xi32> -> vector<2048x1xf32>
    %and3A_68 = arith.constant 2047 : i32
    %and3A_69 = vector.broadcast %and3A_68 : i32 to vector<2048x1xi32>
    %and3A_70 = arith.andi %bitcast_convert_type3A_63, %and3A_69 : vector<2048x1xi32>
    %sub3A_71 = arith.constant 2047 : i32
    %sub3A_72 = vector.broadcast %sub3A_71 : i32 to vector<2048x1xi32>
    %sub3A_73 = arith.subi %sub3A_72, %and3A_70 : vector<2048x1xi32>
    %eq3A_74 = vector.broadcast %broadcast_in_dim3A_62 : vector<2048x1xf32> to vector<2048x128xf32>
    %eq3A_75 = arith.cmpf oeq, %select_n3A_59, %eq3A_74 : vector<2048x128xf32>
    %jit3A_76 = arith.constant 128 : i32
    %broadcast_in_dim3A_77 = vector.broadcast %jit3A_76 : i32 to vector<2048x128xi32>
    %select_n3A_78 = arith.select %eq3A_75, %iota3A, %broadcast_in_dim3A_77 : vector<2048x128xi1>, vector<2048x128xi32>
    %reduce_min3A_79 = arith.constant dense<2147483647> : vector<2048xi32>
    %reduce_min3A_80 = vector.multi_reduction <minsi>, %select_n3A_78, %reduce_min3A_79 [1] : vector<2048x128xi32> to vector<2048xi32>
    %broadcast_in_dim3A_81 = vector.shape_cast %reduce_min3A_80 : vector<2048xi32> to vector<2048x1xi32>
    %mul3A_82 = arith.constant 128 : i32
    %mul3A_83 = vector.broadcast %mul3A_82 : i32 to vector<2048x1xi32>
    %mul3A_84 = arith.muli %sub3A_73, %mul3A_83 : vector<2048x1xi32>
    %add3A_85 = arith.addi %mul3A_84, %broadcast_in_dim3A_81 : vector<2048x1xi32>
    %min3A_86 = arith.constant 99999 : i32
    %min3A_87 = vector.broadcast %min3A_86 : i32 to vector<2048x1xi32>
    %min3A_88 = arith.minsi %add3A_85, %min3A_87 : vector<2048x1xi32>
    %eq3A_89 = vector.broadcast %broadcast_in_dim3A_81 : vector<2048x1xi32> to vector<2048x128xi32>
    %eq3A_90 = arith.cmpi eq, %iota3A, %eq3A_89 : vector<2048x128xi32>
    %and3A_91 = arith.andi %eq3A_75, %eq3A_90 : vector<2048x128xi1>
    %jit3A_92 = arith.constant 0xFF800000 : f32
    %broadcast_in_dim3A_93 = vector.broadcast %jit3A_92 : f32 to vector<2048x128xf32>
    %select_n3A_94 = arith.select %and3A_91, %broadcast_in_dim3A_93, %select_n3A_59 : vector<2048x128xi1>, vector<2048x128xf32>
    %reduce_max3A_95 = arith.constant dense<0xFF800000> : vector<2048xf32>
    %reduce_max3A_96 = vector.multi_reduction <maximumf>, %select_n3A_94, %reduce_max3A_95 [1] : vector<2048x128xf32> to vector<2048xf32>
    %broadcast_in_dim3A_97 = vector.shape_cast %reduce_max3A_96 : vector<2048xf32> to vector<2048x1xf32>
    %bitcast_convert_type3A_98 = tpu.bitcast %broadcast_in_dim3A_97 : vector<2048x1xf32> -> vector<2048x1xi32>
    %and3A_99 = arith.constant -2048 : i32
    %and3A_100 = vector.broadcast %and3A_99 : i32 to vector<2048x1xi32>
    %and3A_101 = arith.andi %bitcast_convert_type3A_98, %and3A_100 : vector<2048x1xi32>
    %bitcast_convert_type3A_102 = tpu.bitcast %and3A_101 : vector<2048x1xi32> -> vector<2048x1xf32>
    %and3A_103 = arith.constant 2047 : i32
    %and3A_104 = vector.broadcast %and3A_103 : i32 to vector<2048x1xi32>
    %and3A_105 = arith.andi %bitcast_convert_type3A_98, %and3A_104 : vector<2048x1xi32>
    %sub3A_106 = arith.constant 2047 : i32
    %sub3A_107 = vector.broadcast %sub3A_106 : i32 to vector<2048x1xi32>
    %sub3A_108 = arith.subi %sub3A_107, %and3A_105 : vector<2048x1xi32>
    %eq3A_109 = vector.broadcast %broadcast_in_dim3A_97 : vector<2048x1xf32> to vector<2048x128xf32>
    %eq3A_110 = arith.cmpf oeq, %select_n3A_94, %eq3A_109 : vector<2048x128xf32>
    %jit3A_111 = arith.constant 128 : i32
    %broadcast_in_dim3A_112 = vector.broadcast %jit3A_111 : i32 to vector<2048x128xi32>
    %select_n3A_113 = arith.select %eq3A_110, %iota3A, %broadcast_in_dim3A_112 : vector<2048x128xi1>, vector<2048x128xi32>
    %reduce_min3A_114 = arith.constant dense<2147483647> : vector<2048xi32>
    %reduce_min3A_115 = vector.multi_reduction <minsi>, %select_n3A_113, %reduce_min3A_114 [1] : vector<2048x128xi32> to vector<2048xi32>
    %broadcast_in_dim3A_116 = vector.shape_cast %reduce_min3A_115 : vector<2048xi32> to vector<2048x1xi32>
    %mul3A_117 = arith.constant 128 : i32
    %mul3A_118 = vector.broadcast %mul3A_117 : i32 to vector<2048x1xi32>
    %mul3A_119 = arith.muli %sub3A_108, %mul3A_118 : vector<2048x1xi32>
    %add3A_120 = arith.addi %mul3A_119, %broadcast_in_dim3A_116 : vector<2048x1xi32>
    %min3A_121 = arith.constant 99999 : i32
    %min3A_122 = vector.broadcast %min3A_121 : i32 to vector<2048x1xi32>
    %min3A_123 = arith.minsi %add3A_120, %min3A_122 : vector<2048x1xi32>
    %concatenate3A = tpu.concatenate %bitcast_convert_type3A_5, %bitcast_convert_type3A_32, %bitcast_convert_type3A_67, %bitcast_convert_type3A_102 in 1 : vector<2048x1xf32>, vector<2048x1xf32>, vector<2048x1xf32>, vector<2048x1xf32> -> vector<2048x4xf32>
    %swap3A = arith.constant 0 : index
    %swap3A_124 = arith.constant 0 : index
    %swap3A_125 = vector.load %arg1[%swap3A, %swap3A_124] : memref<2048x4xf32, #tpu.memory_space<vmem>>, vector<2048x4xf32>
    tpu.vector_store %arg1[%swap3A, %swap3A_124], %concatenate3A {strides = array<i32>} : memref<2048x4xf32, #tpu.memory_space<vmem>>, vector<2048x4xf32>,
    %concatenate3A_126 = tpu.concatenate %min3A_18, %min3A_53, %min3A_88, %min3A_123 in 1 : vector<2048x1xi32>, vector<2048x1xi32>, vector<2048x1xi32>, vector<2048x1xi32> -> vector<2048x4xi32>
    %swap3A_127 = arith.constant 0 : index
    %swap3A_128 = arith.constant 0 : index
    %swap3A_129 = vector.load %arg2[%swap3A_127, %swap3A_128] : memref<2048x4xi32, #tpu.memory_space<vmem>>, vector<2048x4xi32>
    tpu.vector_store %arg2[%swap3A_127, %swap3A_128], %concatenate3A_126 {strides = array<i32>} : memref<2048x4xi32, #tpu.memory_space<vmem>>, vector<2048x4xi32>,
    return
  }
}

module attributes {stable_mosaic.version = 14 : i64} {
  func.func @_stage3_body(%arg0: i32, %arg1: memref<256x768xf32, #tpu.memory_space<vmem>>, %arg2: memref<1024x768xf32, #tpu.memory_space<vmem>>, %arg3: memref<256x4xf32, #tpu.memory_space<vmem>>, %arg4: memref<768x768xf32, #tpu.memory_space<vmem>>, %arg5: memref<768x768xf32, #tpu.memory_space<vmem>>, %arg6: memref<1x768xf32, #tpu.memory_space<vmem>>, %arg7: memref<768x768xf32, #tpu.memory_space<vmem>>, %arg8: memref<1x768xf32, #tpu.memory_space<vmem>>, %arg9: memref<1x1xf32, #tpu.memory_space<smem>>, %arg10: memref<256x768xf32, #tpu.memory_space<vmem>>) attributes {dimension_semantics = [#tpu.dimension_semantics<arbitrary>], iteration_bounds = array<i64: 8>, scalar_prefetch = 0 : i64, scratch_operands = 0 : i64, tpu.core_type = #tpu.core_type<tc>, window_params = [{transform_indices = @transform_0, window_bounds = array<i64: 256, 768>}, {transform_indices = @transform_1, window_bounds = array<i64: 1024, 768>}, {transform_indices = @transform_2, window_bounds = array<i64: 256, 4>}, {pipeline_mode = #tpu.pipeline_mode<synchronous>, transform_indices = @transform_3, window_bounds = array<i64: 768, 768>}, {pipeline_mode = #tpu.pipeline_mode<synchronous>, transform_indices = @transform_4, window_bounds = array<i64: 768, 768>}, {pipeline_mode = #tpu.pipeline_mode<synchronous>, transform_indices = @transform_5, window_bounds = array<i64: 1, 768>}, {pipeline_mode = #tpu.pipeline_mode<synchronous>, transform_indices = @transform_6, window_bounds = array<i64: 768, 768>}, {pipeline_mode = #tpu.pipeline_mode<synchronous>, transform_indices = @transform_7, window_bounds = array<i64: 1, 768>}, {transform_indices = @transform_8, window_bounds = array<i64: 1, 1>}, {transform_indices = @transform_9, window_bounds = array<i64: 256, 768>}]} {
    %get3A = arith.constant 0 : index
    %get3A_0 = arith.constant 0 : index
    %get3A_1 = vector.load %arg3[%get3A, %get3A_0] : memref<256x4xf32, #tpu.memory_space<vmem>>, vector<256x4xf32>
    %reduce_max3A = arith.constant dense<0xFF800000> : vector<256xf32>
    %reduce_max3A_2 = vector.multi_reduction <maximumf>, %get3A_1, %reduce_max3A [1] : vector<256x4xf32> to vector<256xf32>
    %broadcast_in_dim3A = vector.shape_cast %reduce_max3A_2 : vector<256xf32> to vector<256x1xf32>
    %sub3A = vector.broadcast %broadcast_in_dim3A : vector<256x1xf32> to vector<256x4xf32>
    %sub3A_3 = arith.subf %get3A_1, %sub3A : vector<256x4xf32>
    %exp3A = math.exp %sub3A_3 : vector<256x4xf32>
    %reduce_sum3A = arith.constant dense<0.000000e+00> : vector<256xf32>
    %reduce_sum3A_4 = vector.multi_reduction <add>, %exp3A, %reduce_sum3A [1] : vector<256x4xf32> to vector<256xf32>
    %broadcast_in_dim3A_5 = vector.shape_cast %reduce_sum3A_4 : vector<256xf32> to vector<256x1xf32>
    %div3A = vector.broadcast %broadcast_in_dim3A_5 : vector<256x1xf32> to vector<256x4xf32>
    %div3A_6 = arith.divf %exp3A, %div3A : vector<256x4xf32>
    %get3A_7 = arith.constant 0 : index
    %get3A_8 = arith.constant 0 : index
    %get3A_9 = vector.load %arg2[%get3A_7, %get3A_8] : memref<1024x768xf32, #tpu.memory_space<vmem>>, vector<1024x768xf32>
    %iota3A = tpu.iota {dimensions = array<i32: 1>} : vector<256x1024xi32>
    %iota3A_10 = tpu.iota {dimensions = array<i32: 0>} : vector<256x1024xi32>
    %shift_right_logical3A = arith.constant 2 : i32
    %shift_right_logical3A_11 = vector.broadcast %shift_right_logical3A : i32 to vector<256x1024xi32>
    %shift_right_logical3A_12 = arith.shrui %iota3A, %shift_right_logical3A_11 : vector<256x1024xi32>
    %eq3A = arith.cmpi eq, %shift_right_logical3A_12, %iota3A_10 : vector<256x1024xi32>
    %broadcast_in_dim3A_13 = arith.constant 0.000000e+00 : f32
    %broadcast_in_dim3A_14 = vector.broadcast %broadcast_in_dim3A_13 : f32 to vector<256x1024xf32>
    %and3A = arith.constant 3 : i32
    %and3A_15 = vector.broadcast %and3A : i32 to vector<256x1024xi32>
    %and3A_16 = arith.andi %iota3A, %and3A_15 : vector<256x1024xi32>
    %eq3A_17 = arith.constant 0 : i32
    %eq3A_18 = vector.broadcast %eq3A_17 : i32 to vector<256x1024xi32>
    %eq3A_19 = arith.cmpi eq, %and3A_16, %eq3A_18 : vector<256x1024xi32>
    %and3A_20 = arith.andi %eq3A, %eq3A_19 : vector<256x1024xi1>
    %slice3A = vector.extract_strided_slice %div3A_6 {offsets = [0, 0], sizes = [256, 1], strides = [1, 1]} : vector<256x4xf32> to vector<256x1xf32>
    %jit3A = arith.constant 0.000000e+00 : f32
    %broadcast_in_dim3A_21 = vector.shape_cast %slice3A : vector<256x1xf32> to vector<256x1xf32>
    %broadcast_in_dim3A_22 = vector.broadcast %broadcast_in_dim3A_21 : vector<256x1xf32> to vector<256x1024xf32>
    %broadcast_in_dim3A_23 = vector.broadcast %jit3A : f32 to vector<256x1024xf32>
    %select_n3A = arith.select %and3A_20, %broadcast_in_dim3A_22, %broadcast_in_dim3A_23 : vector<256x1024xi1>, vector<256x1024xf32>
    %add3A = arith.addf %broadcast_in_dim3A_14, %select_n3A : vector<256x1024xf32>
    %and3A_24 = arith.constant 3 : i32
    %and3A_25 = vector.broadcast %and3A_24 : i32 to vector<256x1024xi32>
    %and3A_26 = arith.andi %iota3A, %and3A_25 : vector<256x1024xi32>
    %eq3A_27 = arith.constant 1 : i32
    %eq3A_28 = vector.broadcast %eq3A_27 : i32 to vector<256x1024xi32>
    %eq3A_29 = arith.cmpi eq, %and3A_26, %eq3A_28 : vector<256x1024xi32>
    %and3A_30 = arith.andi %eq3A, %eq3A_29 : vector<256x1024xi1>
    %slice3A_31 = vector.extract_strided_slice %div3A_6 {offsets = [0, 1], sizes = [256, 1], strides = [1, 1]} : vector<256x4xf32> to vector<256x1xf32>
    %jit3A_32 = arith.constant 0.000000e+00 : f32
    %broadcast_in_dim3A_33 = vector.shape_cast %slice3A_31 : vector<256x1xf32> to vector<256x1xf32>
    %broadcast_in_dim3A_34 = vector.broadcast %broadcast_in_dim3A_33 : vector<256x1xf32> to vector<256x1024xf32>
    %broadcast_in_dim3A_35 = vector.broadcast %jit3A_32 : f32 to vector<256x1024xf32>
    %select_n3A_36 = arith.select %and3A_30, %broadcast_in_dim3A_34, %broadcast_in_dim3A_35 : vector<256x1024xi1>, vector<256x1024xf32>
    %add3A_37 = arith.addf %add3A, %select_n3A_36 : vector<256x1024xf32>
    %and3A_38 = arith.constant 3 : i32
    %and3A_39 = vector.broadcast %and3A_38 : i32 to vector<256x1024xi32>
    %and3A_40 = arith.andi %iota3A, %and3A_39 : vector<256x1024xi32>
    %eq3A_41 = arith.constant 2 : i32
    %eq3A_42 = vector.broadcast %eq3A_41 : i32 to vector<256x1024xi32>
    %eq3A_43 = arith.cmpi eq, %and3A_40, %eq3A_42 : vector<256x1024xi32>
    %and3A_44 = arith.andi %eq3A, %eq3A_43 : vector<256x1024xi1>
    %slice3A_45 = vector.extract_strided_slice %div3A_6 {offsets = [0, 2], sizes = [256, 1], strides = [1, 1]} : vector<256x4xf32> to vector<256x1xf32>
    %jit3A_46 = arith.constant 0.000000e+00 : f32
    %broadcast_in_dim3A_47 = vector.shape_cast %slice3A_45 : vector<256x1xf32> to vector<256x1xf32>
    %broadcast_in_dim3A_48 = vector.broadcast %broadcast_in_dim3A_47 : vector<256x1xf32> to vector<256x1024xf32>
    %broadcast_in_dim3A_49 = vector.broadcast %jit3A_46 : f32 to vector<256x1024xf32>
    %select_n3A_50 = arith.select %and3A_44, %broadcast_in_dim3A_48, %broadcast_in_dim3A_49 : vector<256x1024xi1>, vector<256x1024xf32>
    %add3A_51 = arith.addf %add3A_37, %select_n3A_50 : vector<256x1024xf32>
    %and3A_52 = arith.constant 3 : i32
    %and3A_53 = vector.broadcast %and3A_52 : i32 to vector<256x1024xi32>
    %and3A_54 = arith.andi %iota3A, %and3A_53 : vector<256x1024xi32>
    %eq3A_55 = arith.constant 3 : i32
    %eq3A_56 = vector.broadcast %eq3A_55 : i32 to vector<256x1024xi32>
    %eq3A_57 = arith.cmpi eq, %and3A_54, %eq3A_56 : vector<256x1024xi32>
    %and3A_58 = arith.andi %eq3A, %eq3A_57 : vector<256x1024xi1>
    %slice3A_59 = vector.extract_strided_slice %div3A_6 {offsets = [0, 3], sizes = [256, 1], strides = [1, 1]} : vector<256x4xf32> to vector<256x1xf32>
    %jit3A_60 = arith.constant 0.000000e+00 : f32
    %broadcast_in_dim3A_61 = vector.shape_cast %slice3A_59 : vector<256x1xf32> to vector<256x1xf32>
    %broadcast_in_dim3A_62 = vector.broadcast %broadcast_in_dim3A_61 : vector<256x1xf32> to vector<256x1024xf32>
    %broadcast_in_dim3A_63 = vector.broadcast %jit3A_60 : f32 to vector<256x1024xf32>
    %select_n3A_64 = arith.select %and3A_58, %broadcast_in_dim3A_62, %broadcast_in_dim3A_63 : vector<256x1024xi1>, vector<256x1024xf32>
    %add3A_65 = arith.addf %add3A_51, %select_n3A_64 : vector<256x1024xf32>
    %dot_general3A = arith.constant dense<0.000000e+00> : vector<256x768xf32>
    %dot_general3A_66 = tpu.matmul %add3A_65, %get3A_9, %dot_general3A {dimension_numbers = #tpu.dot_dimension_numbers<[1], [0], [0], [1], [0, 0, 1, 1], [], []>, transpose_lhs_hint = false} : vector<256x1024xf32>, vector<1024x768xf32>, vector<256x768xf32> -> vector<256x768xf32>
    %get3A_67 = arith.constant 0 : index
    %get3A_68 = arith.constant 0 : index
    %get3A_69 = vector.load %arg4[%get3A_67, %get3A_68] : memref<768x768xf32, #tpu.memory_space<vmem>>, vector<768x768xf32>
    %dot_general3A_70 = arith.constant dense<0.000000e+00> : vector<256x768xf32>
    %dot_general3A_71 = tpu.matmul %dot_general3A_66, %get3A_69, %dot_general3A_70 {dimension_numbers = #tpu.dot_dimension_numbers<[1], [1], [0], [0], [0, 0, 1, 0], [], []>, transpose_lhs_hint = false} : vector<256x768xf32>, vector<768x768xf32>, vector<256x768xf32> -> vector<256x768xf32>
    %get3A_72 = arith.constant 0 : index
    %get3A_73 = arith.constant 0 : index
    %get3A_74 = vector.load %arg5[%get3A_72, %get3A_73] : memref<768x768xf32, #tpu.memory_space<vmem>>, vector<768x768xf32>
    %dot_general3A_75 = arith.constant dense<0.000000e+00> : vector<256x768xf32>
    %dot_general3A_76 = tpu.matmul %dot_general3A_71, %get3A_74, %dot_general3A_75 {dimension_numbers = #tpu.dot_dimension_numbers<[1], [1], [0], [0], [0, 0, 1, 0], [], []>, transpose_lhs_hint = false} : vector<256x768xf32>, vector<768x768xf32>, vector<256x768xf32> -> vector<256x768xf32>
    %get3A_77 = arith.constant 0 : index
    %get3A_78 = arith.constant 0 : index
    %get3A_79 = vector.load %arg6[%get3A_77, %get3A_78] : memref<1x768xf32, #tpu.memory_space<vmem>>, vector<1x768xf32>
    %add3A_80 = vector.broadcast %get3A_79 : vector<1x768xf32> to vector<256x768xf32>
    %add3A_81 = arith.addf %dot_general3A_76, %add3A_80 : vector<256x768xf32>
    %get3A_82 = arith.constant 0 : index
    %get3A_83 = arith.constant 0 : index
    %get3A_84 = vector.load %arg7[%get3A_82, %get3A_83] : memref<768x768xf32, #tpu.memory_space<vmem>>, vector<768x768xf32>
    %dot_general3A_85 = arith.constant dense<0.000000e+00> : vector<256x768xf32>
    %dot_general3A_86 = tpu.matmul %add3A_81, %get3A_84, %dot_general3A_85 {dimension_numbers = #tpu.dot_dimension_numbers<[1], [1], [0], [0], [0, 0, 1, 0], [], []>, transpose_lhs_hint = false} : vector<256x768xf32>, vector<768x768xf32>, vector<256x768xf32> -> vector<256x768xf32>
    %get3A_87 = arith.constant 0 : index
    %get3A_88 = arith.constant 0 : index
    %get3A_89 = vector.load %arg8[%get3A_87, %get3A_88] : memref<1x768xf32, #tpu.memory_space<vmem>>, vector<1x768xf32>
    %add3A_90 = vector.broadcast %get3A_89 : vector<1x768xf32> to vector<256x768xf32>
    %add3A_91 = arith.addf %dot_general3A_86, %add3A_90 : vector<256x768xf32>
    %get3A_92 = arith.constant 0 : index
    %get3A_93 = arith.constant 0 : index
    %get3A_94 = memref.load %arg9[%get3A_92, %get3A_93] : memref<1x1xf32, #tpu.memory_space<smem>>
    %neg3A = arith.constant 0.000000e+00 : f32
    %neg3A_95 = arith.subf %neg3A, %get3A_94 : f32
    %exp3A_96 = math.exp %neg3A_95 : f32
    %add3A_97 = arith.constant 1.000000e+00 : f32
    %add3A_98 = arith.addf %add3A_97, %exp3A_96 : f32
    %div3A_99 = arith.constant 1.000000e+00 : f32
    %div3A_100 = arith.divf %div3A_99, %add3A_98 : f32
    %get3A_101 = arith.constant 0 : index
    %get3A_102 = arith.constant 0 : index
    %get3A_103 = vector.load %arg1[%get3A_101, %get3A_102] : memref<256x768xf32, #tpu.memory_space<vmem>>, vector<256x768xf32>
    %mul3A = vector.broadcast %div3A_100 : f32 to vector<256x768xf32>
    %mul3A_104 = arith.mulf %mul3A, %add3A_91 : vector<256x768xf32>
    %add3A_105 = arith.addf %get3A_103, %mul3A_104 : vector<256x768xf32>
    %swap3A = arith.constant 0 : index
    %swap3A_106 = arith.constant 0 : index
    %swap3A_107 = vector.load %arg10[%swap3A, %swap3A_106] : memref<256x768xf32, #tpu.memory_space<vmem>>, vector<256x768xf32>
    tpu.vector_store %arg10[%swap3A, %swap3A_106], %add3A_105 {strides = array<i32>} : memref<256x768xf32, #tpu.memory_space<vmem>>, vector<256x768xf32>,
    return
  }
  func.func @transform_0(%arg0: i32) -> (i32, i32) {
    %c0_i32 = arith.constant 0 : i32
    %c0_i32_0 = arith.constant 0 : i32
    return %arg0, %c0_i32 : i32, i32
  }
  func.func @transform_1(%arg0: i32) -> (i32, i32) {
    %c0_i32 = arith.constant 0 : i32
    %c0_i32_0 = arith.constant 0 : i32
    return %arg0, %c0_i32 : i32, i32
  }
  func.func @transform_2(%arg0: i32) -> (i32, i32) {
    %c0_i32 = arith.constant 0 : i32
    %c0_i32_0 = arith.constant 0 : i32
    return %arg0, %c0_i32 : i32, i32
  }
  func.func @transform_3(%arg0: i32) -> (i32, i32) {
    %c0_i32 = arith.constant 0 : i32
    %c0_i32_0 = arith.constant 0 : i32
    %c0_i32_1 = arith.constant 0 : i32
    return %c0_i32, %c0_i32_0 : i32, i32
  }
  func.func @transform_4(%arg0: i32) -> (i32, i32) {
    %c0_i32 = arith.constant 0 : i32
    %c0_i32_0 = arith.constant 0 : i32
    %c0_i32_1 = arith.constant 0 : i32
    return %c0_i32, %c0_i32_0 : i32, i32
  }
  func.func @transform_5(%arg0: i32) -> (i32, i32) {
    %c0_i32 = arith.constant 0 : i32
    %c0_i32_0 = arith.constant 0 : i32
    %c0_i32_1 = arith.constant 0 : i32
    return %c0_i32, %c0_i32_0 : i32, i32
  }
  func.func @transform_6(%arg0: i32) -> (i32, i32) {
    %c0_i32 = arith.constant 0 : i32
    %c0_i32_0 = arith.constant 0 : i32
    %c0_i32_1 = arith.constant 0 : i32
    return %c0_i32, %c0_i32_0 : i32, i32
  }
  func.func @transform_7(%arg0: i32) -> (i32, i32) {
    %c0_i32 = arith.constant 0 : i32
    %c0_i32_0 = arith.constant 0 : i32
    %c0_i32_1 = arith.constant 0 : i32
    return %c0_i32, %c0_i32_0 : i32, i32
  }
  func.func @transform_8(%arg0: i32) -> (i32, i32) {
    %c0_i32 = arith.constant 0 : i32
    %c0_i32_0 = arith.constant 0 : i32
    %c0_i32_1 = arith.constant 0 : i32
    return %c0_i32, %c0_i32_0 : i32, i32
  }
  func.func @transform_9(%arg0: i32) -> (i32, i32) {
    %c0_i32 = arith.constant 0 : i32
    %c0_i32_0 = arith.constant 0 : i32
    return %arg0, %c0_i32 : i32, i32
  }
}

</mosaic_0001>

<sc_bundles>
// kernel: kernel.7.cloned.1.call-start
scs
__scs_entry_jumppad:
0x0: {  	(pc) =	sbr.rel $0x88, $3  }
0x1: {  	(tag) =	ssettag $0x0;
	lr =	simm.s32 $0x1  }
0x2: {  	[smem:$0x3F96] =	sst lr;
	_ =	strace $0xD0000000  }
0x3: {  	_ = 	snop  }
0x4: {  	_ = 	snop  }
0x5: {  	_ = 	snop  }
0x6: {  	_ = 	snop  }
0x7: {  	_ = 	snop  }
__scs_overlays_trampoline_lowered:
0x8: {  	[smem:$0x3FA5] =	sst s0  }
0x9: {  	[smem:$0x3FA6] =	sst s1  }
0xa: {  	[smem:$0x3FA7] =	sst s2  }
0xb: {  	[smem:$0x3FA8] =	sst s3  }
0xc: {  	[smem:$0x3FA9] =	sst s4  }
0xd: {  	[smem:$0x3FAA] =	sst s5  }
0xe: {  	[smem:$0x3FAB] =	sst s6  }
0xf: {  	[smem:$0x3FAC] =	sst s7  }
0x10: {  	[smem:$0x3FAD] =	sst s8  }
0x11: {  	[smem:$0x3FAE] =	sst s9;
	s0 =	simm.s32 @!p0 $0x0  }
0x12: {  	s1 =	sld [smem:$0x3F94];
	s0 =	simm.s32 @p0 $0x1  }
0x13: {  	[smem:$0x3FAF] =	sst s0;
	s0 =	simm.s32 @!p1 $0x0  }
0x14: {  	s2 =	sld [smem:$0x3F93];
	s0 =	simm.s32 @p1 $0x1  }
0x15: {  	[smem:$0x3FB0] =	sst s0;
	s0 =	simm.s32 @!p2 $0x0  }
0x16: {  	s3 =	sld [smem:$0x3FDB];
	s0 =	simm.s32 @p2 $0x1  }
0x17: {  	s4 =	simm.s32 $0x1BF5;
	[smem:$0x3FB2] =	sst s0  }
0x18: {  	s0 =	sld [smem:$0x3F95];
	_ =	swait.ge [sflag:s4], $0x0  }
0x19: {  	s7 =	sld [smem:$0x3F96]  }
0x1a: {  	s8 =	sadd.s32 $0xFFFFE003, lr  }
0x1b: {  	s9 =	sadd.s32 $0xFFFFFEF7, lr;
	s5 =	simm.s32 $0xFFFFFFFF;
	p2 =	slt.u32 s8, $0xFFFFF086  }
0x1c: {  	p1 =	slt.u32 s9, $0xF7A;
	s5 =	simm.s32 @!p2 $0x0  }
0x1d: {  	s5 =	simm.s32 @p1 $0x1;
	p0 =	seq.s32 s7, s2  }
0x1e: {  	s7 =	smul.u32 @!p0 $0xF7A, s2;
	p2 =	seq.s32 @!p0 s5, $0x0  }
0x1f: {  	s9 =	smul.u32 $0xF7A, s1;
	s8 =	simm.s32 @!p0 $0x1BF5;
	p2 =	por !p2, p0  }
0x20: {  	[sflag:s8] =	ssyncset.s32 @!p0 $0xFFFFF086;
	s6 =	sadd.s32 @!p0 s3, s7;
	s7 =	simm.s32 @!p0 $0x108  }
0x21: {  	s3 =	sadd.s32 s3, s9;
	s6 =	sadd.s32 @!p0 $0x88, s6;
	s7 =	simm.s32 @p2 $0x1082  }
0x22: {  	[simem:s7], [sflag:s8] =	dma.local @!p0 [hbm:s6], $0xF7A  }
0x23: {  	s9 =	sor.u32 $0xD0000000, s2;
	s6 =	simm.s32 $0x108;
	_ =	swait.ge @!p0 [sflag:s8], $0x0  }
0x24: {  	s3 =	sadd.s32 $0x88, s3;
	s6 =	simm.s32 @!p1 $0x1082;
	[sflag:s4] =	ssyncset.s32 $0xFFFFF086  }
0x25: {  	[simem:s6], [sflag:s4] =	dma.local [hbm:s3], $0xF7A  }
0x26: {  	[smem:$0x3F96] =	sst s1;
	(tag) =	ssettag s2;
	_ =	strace s9  }
0x27: {  	s1 =	sld [smem:$0x3FA6]  }
0x28: {  	s2 =	sld [smem:$0x3FA7]  }
0x29: {  	s4 =	sld [smem:$0x3FA9]  }
0x2a: {  	p0 =	seq.s32 s5, $0x0;
	s5 =	sld [smem:$0x3FAA]  }
0x2b: {  	s6 =	sld [smem:$0x3FAB]  }
0x2c: {  	s7 =	sld [smem:$0x3FAC]  }
0x2d: {  	s3 =	simm.s32 $0x108;
	s8 =	sld [smem:$0x3FAD]  }
0x2e: {  	s3 =	simm.s32 @!p0 $0x1082;
	s9 =	sld [smem:$0x3FAE]  }
0x2f: {  	lr =	sadd.s32 s0, s3;
	s0 =	sld [smem:$0x3FA5]  }
0x30: {  	s3 =	sld [smem:$0x3FA8]  }
0x31: {  	[smem:$0x3FB1] =	sst s10  }
0x32: {  	s10 =	sld [smem:$0x3FAF];
	_ =	sdelay $0x3  }
0x33: {  	p0 =	seq.s32 s10, $0x1;
	s10 =	sld [smem:$0x3FB1];
	_ =	sdelay $0x3  }
0x34: {  	[smem:$0x3FB1] =	sst s10  }
0x35: {  	s10 =	sld [smem:$0x3FB0];
	_ =	sdelay $0x3  }
0x36: {  	p1 =	seq.s32 s10, $0x1;
	s10 =	sld [smem:$0x3FB1];
	_ =	sdelay $0x3  }
0x37: {  	[smem:$0x3FB1] =	sst s10  }
0x38: {  	s10 =	sld [smem:$0x3FB2]  }
0x39: {  	_ = 	snop;
	(pc) =	sbr.ind lr, $3  }
0x3a: {  	_ = 	snop  }
0x3b: {  	_ = 	snop  }
0x3c: {  	p2 =	seq.s32 s10, $0x1;
	s10 =	sld [smem:$0x3FB1]  }
0x3d: {  	_ =	shalt  }
0x3e: {  	_ =	shalt  }
0x3f: {  	_ =	shalt  }
0x40: {  	_ =	shalt  }
0x41: {  	_ =	shalt  }
0x42: {  	_ =	shalt  }
0x43: {  	_ =	shalt  }
0x44: {  	_ =	shalt  }
0x45: {  	_ =	shalt  }
0x46: {  	_ =	shalt  }
0x47: {  	_ =	shalt  }
0x48: {  	_ =	shalt  }
0x49: {  	_ =	shalt  }
0x4a: {  	_ =	shalt  }
0x4b: {  	_ =	shalt  }
0x4c: {  	_ =	shalt  }
0x4d: {  	_ =	shalt  }
0x4e: {  	_ =	shalt  }
0x4f: {  	_ =	shalt  }
0x50: {  	_ =	shalt  }
0x51: {  	_ =	shalt  }
0x52: {  	_ =	shalt  }
0x53: {  	_ =	shalt  }
0x54: {  	_ =	shalt  }
0x55: {  	_ =	shalt  }
0x56: {  	_ =	shalt  }
0x57: {  	_ =	shalt  }
0x58: {  	_ =	shalt  }
0x59: {  	_ =	shalt  }
0x5a: {  	_ =	shalt  }
0x5b: {  	_ =	shalt  }
0x5c: {  	_ =	shalt  }
0x5d: {  	_ =	shalt  }
0x5e: {  	_ =	shalt  }
0x5f: {  	_ =	shalt  }
0x60: {  	_ =	shalt  }
0x61: {  	_ =	shalt  }
0x62: {  	_ =	shalt  }
0x63: {  	_ =	shalt  }
0x64: {  	_ =	shalt  }
0x65: {  	_ =	shalt  }
0x66: {  	_ =	shalt  }
0x67: {  	_ =	shalt  }
0x68: {  	_ =	shalt  }
0x69: {  	_ =	shalt  }
0x6a: {  	_ =	shalt  }
0x6b: {  	_ =	shalt  }
0x6c: {  	_ =	shalt  }
0x6d: {  	_ =	shalt  }
0x6e: {  	_ =	shalt  }
0x6f: {  	_ =	shalt  }
0x70: {  	_ =	shalt  }
0x71: {  	_ =	shalt  }
0x72: {  	_ =	shalt  }
0x73: {  	_ =	shalt  }
0x74: {  	_ =	shalt  }
0x75: {  	_ =	shalt  }
0x76: {  	_ =	shalt  }
0x77: {  	_ =	shalt  }
0x78: {  	_ =	shalt  }
0x79: {  	_ =	shalt  }
0x7a: {  	_ =	shalt  }
0x7b: {  	_ =	shalt  }
0x7c: {  	_ =	shalt  }
0x7d: {  	_ =	shalt  }
0x7e: {  	_ =	shalt  }
0x7f: {  	_ =	shalt  }
0x80: {  	_ =	shalt  }
0x81: {  	_ =	shalt  }
0x82: {  	_ =	shalt  }
0x83: {  	_ =	shalt  }
0x84: {  	_ =	shalt  }
0x85: {  	_ =	shalt  }
0x86: {  	_ =	shalt  }
0x87: {  	_ =	shalt  }
.Lfunc_end0:
.L_simem_size_0:
called_computation_lowered:
.L_overlay_start_0:
0x88: {  	s2 =	sld [smem:$0x3FD9]  }
0x89: {  	s3 =	sld [smem:$0x3FFE];
	_ =	sdelay $0x1  }
0x8a: {  	s1 =	srdreg.scid  }
0x8b: {  	s0 =	sand.u32 $0x1, s1  }
0x8c: {  	s17 =	sshll.u32 s0, $0xA;
	s2 =	sadd.s32 s3, s2  }
0x8d: {  	s2 =	sadd.s32 s2, s17  }
0x8e: {  	[smem:$0x3FBD] =	sst s2  }
0x8f: {  	_ = 	snop  }
0x90: {  	s2 =	sld [smem:$0x3FC6];
	(tm) =	ssettm $0x1  }
0x91: {  	s18 =	sld [smem:$0x3FFB];
	_ =	sdelay $0x3  }
0x92: {  	_ =	strace s18  }
0x93: {  	s3 =	sld [smem:$0x3FFC];
	_ =	sdelay $0x3  }
0x94: {  	_ =	strace s3  }
0x95: {  	s3 =	sld [smem:$0x3FFD];
	_ =	sdelay $0x3  }
0x96: {  	_ =	strace s3  }
0x97: {  	_ =	strace $0x8FFFFFFF  }
0x98: {  	s19 =	sld [smem:$0x3FDB];
	_ =	sdelay $0x1  }
0x99: {  	s4 =	simm.s32 $_scs_section_size  }
0x9a: {  	s5 =	simm.s32 $_size__tile_overlayer_lowered;
	s6 =	simm.s32 $_tile_overlayer_lowered  }
0x9b: {  	s22 =	simm.s32 $0x1BFF;
	s21 =	sshll.u32 s6, $0x1;
	s3 =	sadd.s32 s4, s19  }
0x9c: {  	s7 =	simm.s32 $0x0;
	s20 =	sshll.u32 s5, $0x1;
	s5 =	sadd.s32 s21, s3  }
0x9d: {  	[timem:s7], [sflag:s22] =	dma.local [hbm:s5], s20  }
0x9e: {  	_ =	swait.ge [sflag:s22], s20  }
0x9f: {  	s4 =	ssub.s32 $0x0, s20;
	[sflag:s22] =	ssyncset.done $0x0  }
0xa0: {  	[sflag:s22] =	ssyncadd.s32 s4;
	_ =	sdelay $0x1  }
0xa1: {  	s23 =	simm.s32 $0x1B8B  }
0xa2: {  	_ =	swait.ge [sflag:s23], $0x1  }
0xa3: {  	[sflag:s23] =	ssyncset.done $0x0  }
0xa4: {  	s25 =	simm.s32 $0x1B8E;
	s24 =	sld [smem:$0x3FFE];
	[sflag:s23] =	ssyncadd.s32 $0xFFFFFFFF  }
0xa5: {  	s26 =	simm.s32 $execute0_lowered;
	[smem:$0x3FD2] =	sst s25  }
0xa6: {  	s5 =	sshll.u32 s26, $0x1;
	_ =	strace $0x80000046;
	[dreg:$0x1] =	wrdreg $0xFFFFFFFF  }
0xa7: {  	s28 =	simm.s32 $_size_execute0_lowered;
	s3 =	sadd.s32 s3, s5;
	[dreg:$0x0] =	wrdreg $0x0  }
0xa8: {  	s5 =	sshll.u32 s28, $0x1;
	[dreg:$0x2] =	wrdreg s3  }
0xa9: {  	[dreg:$0x3] =	wrdreg s5  }
0xaa: {  	[dreg:$0x4] =	wrdreg $0xC0  }
0xab: {  	_ =	task [dreg:s7], $0x5FFFF  }
0xac: {  	[dreg:$0x1] =	wrdreg $0xFFFFFFFF  }
0xad: {  	[dreg:$0x0] =	wrdreg $0x60  }
0xae: {  	[dreg:$0x2] =	wrdreg s24  }
0xaf: {  	[dreg:$0x3] =	wrdreg s2  }
0xb0: {  	[dreg:$0x4] =	wrdreg $0x9  }
0xb1: {  	_ =	task.clear_ibuf [dreg:s7], $0x5FFFF;
	_ =	strace $0x90000046  }
0xb2: {  	s29 =	simm.s32 $0x9;
	_ =	strace $0x80000048  }
0xb3: {  	_ =	swait.ge [sflag:s29], $0x1  }
0xb4: {  	[sflag:s29] =	ssyncadd.s32 $0xFFFFFFFF  }
0xb5: {  	_ =	strace $0x90000048  }
0xb6: {  	_ =	sfence  }
0xb7: {  	s30 =	sld [smem:$0x0];
	_ =	sdelay $0x2  }
0xb8: {  	s31 =	sshll.u32 s1, $0xD;
	s1 =	sshrl.u32 s1, $0x2  }
0xb9: {  	s3 =	sand.u32 $0x4000, s31;
	s1 =	sadd.s32 s1, s30  }
0xba: {  	s0 =	sor.u32 s3, s0;
	s1 =	sshll.u32 s1, $0x11  }
0xbb: {  	s0 =	sor.u32 s1, s0  }
0xbc: {  	s0 =	sadd.s32 $0x8F2B, s0  }
0xbd: {  	[sflag:s0] =	ssyncadd.remote.s32 $0x1  }
0xbe: {  	_ =	sfence.sel $0xFFFF  }
0xbf: {  	[dreg:$0x0] =	wrdreg $0xFFFFFFFF;
	(pc) =	sbr.abs _section_cstart, $3  }
0xc0: {  	[dreg:$0x1] =	wrdreg $0xFFFFFFFF  }
0xc1: {  	_ =	task.clear_ibuf [dreg:s7], $0x2FFFF;
	_ =	strace $0x9FFFFFFF  }
0xc2: {  	(tm) =	ssettm $0x7FFFFFFF  }
0xc3: {  	_ =	shalt  }
tec
execute0_lowered:
.L_overlay_start_1:
0x0: {  	(tag) =	ssettag $0x1  }
0x1: {  	s0 =	rddreg [dreg:$0x0]  }
0x2: {  	s1 =	srdreg.scid;
	s3 =	stileid.u32  }
0x3: {  	s2 =	rddreg [dreg:$0x1];
	s8 =	simm.s32 $0x2;
	s9 =	simm.s32 $0x200  }
0x4: {  	s11 =	simm.s32 $0xA00;
	s12 =	simm.s32 $0x1200;
	s13 =	simm.s32 $0x1A00  }
0x5: {  	s14 =	simm.s32 $0x2200;
	s15 =	simm.s32 $0x2A00;
	s16 =	simm.s32 $0x3200  }
0x6: {  	s17 =	simm.s32 $0x3A00;
	s18 =	simm.s32 $0x4200;
	s19 =	simm.s32 $0x4A00  }
0x7: {  	s20 =	simm.s32 $0x5200;
	s21 =	simm.s32 $0x5A00;
	s22 =	simm.s32 $0x6200  }
0x8: {  	s23 =	simm.s32 $0x6A00;
	s24 =	simm.s32 $0x7200;
	s28 =	simm.s32 $0x8A00  }
0x9: {  	s29 =	simm.s32 $0x9200;
	s30 =	simm.s32 $0x9A00;
	s31 =	simm.s32 $0xA200  }
0xa: {  	s1 =	sand.u32 $0x1, s1;
	s4 =	sshll.u32 s3, $0x1;
	s3 =	simm.s32 $0x0  }
0xb: {  	s4 =	sor.u32 s1, s4;
	[smem:$0x7FF] =	sst s3;
	s1 =	ssub.s32 $0x2, s1  }
0xc: {  	s5 =	smul.u32 $0x6000, s4;
	_ =	strace $0x80000047;
	s6 =	sshll.u32 s4, $0x6  }
0xd: {  	s4 =	smul.u32 $0x30000, s4;
	s25 =	sshrl.u32 s1, $0x1;
	s6 =	sadd.s32 s6, s0  }
0xe: {  	s0 =	sadd.s32 $0x1E00, s0;
	s1 =	ssub.s32 s1, s25;
	s25 =	simm.s32 $0x7A00  }
0xf: {  	s6 =	sadd.s32 $0x1600, s6;
	s5 =	sadd.s32 s0, s5;
	s4 =	sshrl.u32 s4, $0x3  }
0x10: {  	s7 =	smax.u32 s1, $0x1;
	s1 =	simm.s32 $0xAA00;
	[dreg:$0x3] =	wrdreg s6  }
0x11: {  	[dreg:$0x7] =	wrdreg s5;
	s5 =	sadd.s32 $0x1800, s5;
	s0 =	sadd.s32 s0, s4  }
0x12: {  	v2 =	vlaneseq.u32;
	s6 =	sadd.s32 $0x200, s2;
	[dreg:$0x4] =	wrdreg s5;
	s26 =	sadd.s32 $0x3000, s0  }
0x13: {  	vm0 =	vmmov $0xffff;
	v1 =	vshrl.u32 v2, $0x3;
	s4 =	simm.s32 $0x1;
	s0 =	sadd.s32 $0x4800, s0;
	[dreg:$0x5] =	wrdreg s26  }
0x14: {  	v0 =	vand.u32 $0x7, v2;
	v2 =	vor.u32 $0x8, v2;
	v1 =	vmul.u32 $0x8, v1;
	s5 =	sadd.s32 $0x100, s2;
	[dreg:$0x6] =	wrdreg s0;
	s26 =	simm.s32 $0x8200  }
.LBB2_1:
0x15: {  	s10 =	rddreg [dreg:$0x3]  }
0x16: {  	[tilespmem:s3], [sflag:$0x2] =	stream.linear.gather [hbm4b:s10+s3], $0x200, $0x38;
	[tilespmem:$0xC200] =	vst v63  }
0x17: {  	_ =	swait.ge [sflag:s8], $0x200  }
0x18: {  	[sflag:s8] =	ssyncset.done $0x0  }
0x19: {  	[sflag:s8] =	ssyncadd.s32 $0xFFFFFE00  }
0x1a: {  	v3 =	vld [tilespmem:$0x0];
	_ =	sdelay $0x4  }
0x1b: {  	v4 =	vshrl.u32 v3, $0x3  }
0x1c: {  	v4 =	vmul.u32 $0x30, v4  }
0x1d: {  	v3 =	vand.u32 $0x7, v3  }
0x1e: {  	v3 =	vor.u32 v3, v4  }
0x1f: {  	v4 =	vperm.xlane v3, v0;
	_ =	sdelay $0x1  }
0x20: {  	v4 =	vadd.s32 v1, v4;
	_ =	sdelay $0x3  }
0x21: {  	v3 =	vperm.xlane v3, v2  }
0x22: {  	[tilespmem:s9], [sflag:$0x1] =	stream.indirect_vreg.gather [hbm4b:s2+s3], $0x80, v4, vm0, $0xb8;
	[tilespmem:$0xC200] =	vst v63  }
0x23: {  	v3 =	vadd.s32 v1, v3  }
0x24: {  	[tilespmem:s11], [sflag:$0x1] =	stream.indirect_vreg.gather [hbm4b:s5+s3], $0x80, v4, vm0, $0xb8;
	[tilespmem:$0xC200] =	vst v63  }
0x25: {  	_ = 	snop  }
0x26: {  	[tilespmem:s12], [sflag:$0x1] =	stream.indirect_vreg.gather [hbm4b:s6+s3], $0x80, v4, vm0, $0xb8;
	[tilespmem:$0xC200] =	vst v63  }
0x27: {  	_ = 	snop  }
0x28: {  	[tilespmem:s13], [sflag:$0x1] =	stream.indirect_vreg.gather [hbm4b:s2+s3], $0x80, v3, vm0, $0xb8;
	[tilespmem:$0xC200] =	vst v63  }
0x29: {  	_ = 	snop  }
0x2a: {  	[tilespmem:s14], [sflag:$0x1] =	stream.indirect_vreg.gather [hbm4b:s5+s3], $0x80, v3, vm0, $0xb8;
	[tilespmem:$0xC200] =	vst v63  }
0x2b: {  	_ = 	snop  }
0x2c: {  	[tilespmem:s15], [sflag:$0x1] =	stream.indirect_vreg.gather [hbm4b:s6+s3], $0x80, v3, vm0, $0xb8;
	[tilespmem:$0xC200] =	vst v63  }
0x2d: {  	v3 =	vld [tilespmem:$0x10];
	_ =	sdelay $0x4  }
0x2e: {  	v49 =	vshrl.u32 v3, $0x3  }
0x2f: {  	v4 =	vmul.u32 $0x30, v49  }
0x30: {  	v3 =	vand.u32 $0x7, v3  }
0x31: {  	v3 =	vor.u32 v3, v4  }
0x32: {  	v4 =	vperm.xlane v3, v0;
	_ =	sdelay $0x1  }
0x33: {  	v4 =	vadd.s32 v1, v4;
	_ =	sdelay $0x3  }
0x34: {  	v3 =	vperm.xlane v3, v2  }
0x35: {  	[tilespmem:s16], [sflag:$0x1] =	stream.indirect_vreg.gather [hbm4b:s2+s3], $0x80, v4, vm0, $0xb8;
	[tilespmem:$0xC200] =	vst v63  }
0x36: {  	v3 =	vadd.s32 v1, v3  }
0x37: {  	[tilespmem:s17], [sflag:$0x1] =	stream.indirect_vreg.gather [hbm4b:s5+s3], $0x80, v4, vm0, $0xb8;
	[tilespmem:$0xC200] =	vst v63  }
0x38: {  	_ = 	snop  }
0x39: {  	[tilespmem:s18], [sflag:$0x1] =	stream.indirect_vreg.gather [hbm4b:s6+s3], $0x80, v4, vm0, $0xb8;
	[tilespmem:$0xC200] =	vst v63  }
0x3a: {  	_ = 	snop  }
0x3b: {  	[tilespmem:s19], [sflag:$0x1] =	stream.indirect_vreg.gather [hbm4b:s2+s3], $0x80, v3, vm0, $0xb8;
	[tilespmem:$0xC200] =	vst v63  }
0x3c: {  	_ = 	snop  }
0x3d: {  	[tilespmem:s20], [sflag:$0x1] =	stream.indirect_vreg.gather [hbm4b:s5+s3], $0x80, v3, vm0, $0xb8;
	[tilespmem:$0xC200] =	vst v63  }
0x3e: {  	_ = 	snop  }
0x3f: {  	[tilespmem:s21], [sflag:$0x1] =	stream.indirect_vreg.gather [hbm4b:s6+s3], $0x80, v3, vm0, $0xb8;
	[tilespmem:$0xC200] =	vst v63  }
0x40: {  	v3 =	vld [tilespmem:$0x20];
	_ =	sdelay $0x4  }
0x41: {  	v50 =	vshrl.u32 v3, $0x3  }
0x42: {  	v4 =	vmul.u32 $0x30, v50  }
0x43: {  	v3 =	vand.u32 $0x7, v3  }
0x44: {  	v3 =	vor.u32 v3, v4  }
0x45: {  	v4 =	vperm.xlane v3, v0;
	_ =	sdelay $0x1  }
0x46: {  	v4 =	vadd.s32 v1, v4;
	_ =	sdelay $0x3  }
0x47: {  	v3 =	vperm.xlane v3, v2  }
0x48: {  	[tilespmem:s22], [sflag:$0x1] =	stream.indirect_vreg.gather [hbm4b:s2+s3], $0x80, v4, vm0, $0xb8;
	[tilespmem:$0xC200] =	vst v63  }
0x49: {  	v3 =	vadd.s32 v1, v3  }
0x4a: {  	[tilespmem:s23], [sflag:$0x1] =	stream.indirect_vreg.gather [hbm4b:s5+s3], $0x80, v4, vm0, $0xb8;
	[tilespmem:$0xC200] =	vst v63  }
0x4b: {  	_ = 	snop  }
0x4c: {  	[tilespmem:s24], [sflag:$0x1] =	stream.indirect_vreg.gather [hbm4b:s6+s3], $0x80, v4, vm0, $0xb8;
	[tilespmem:$0xC200] =	vst v63  }
0x4d: {  	_ = 	snop  }
0x4e: {  	[tilespmem:s25], [sflag:$0x1] =	stream.indirect_vreg.gather [hbm4b:s2+s3], $0x80, v3, vm0, $0xb8;
	[tilespmem:$0xC200] =	vst v63  }
0x4f: {  	_ = 	snop  }
0x50: {  	[tilespmem:s26], [sflag:$0x1] =	stream.indirect_vreg.gather [hbm4b:s5+s3], $0x80, v3, vm0, $0xb8;
	[tilespmem:$0xC200] =	vst v63  }
0x51: {  	_ = 	snop  }
0x52: {  	[tilespmem:s28], [sflag:$0x1] =	stream.indirect_vreg.gather [hbm4b:s6+s3], $0x80, v3, vm0, $0xb8;
	[tilespmem:$0xC200] =	vst v63  }
0x53: {  	v3 =	vld [tilespmem:$0x30];
	_ =	sdelay $0x4  }
0x54: {  	v51 =	vshrl.u32 v3, $0x3  }
0x55: {  	v4 =	vmul.u32 $0x30, v51  }
0x56: {  	v3 =	vand.u32 $0x7, v3  }
0x57: {  	v3 =	vor.u32 v3, v4  }
0x58: {  	v4 =	vperm.xlane v3, v0;
	_ =	sdelay $0x1  }
0x59: {  	v4 =	vadd.s32 v1, v4;
	_ =	sdelay $0x3  }
0x5a: {  	v3 =	vperm.xlane v3, v2  }
0x5b: {  	[tilespmem:s29], [sflag:$0x1] =	stream.indirect_vreg.gather [hbm4b:s2+s3], $0x80, v4, vm0, $0xb8;
	[tilespmem:$0xC200] =	vst v63  }
0x5c: {  	v3 =	vadd.s32 v1, v3  }
0x5d: {  	[tilespmem:s30], [sflag:$0x1] =	stream.indirect_vreg.gather [hbm4b:s5+s3], $0x80, v4, vm0, $0xb8;
	[tilespmem:$0xC200] =	vst v63  }
0x5e: {  	_ = 	snop  }
0x5f: {  	[tilespmem:s31], [sflag:$0x1] =	stream.indirect_vreg.gather [hbm4b:s6+s3], $0x80, v4, vm0, $0xb8;
	[tilespmem:$0xC200] =	vst v63  }
0x60: {  	_ = 	snop  }
0x61: {  	[tilespmem:s1], [sflag:$0x1] =	stream.indirect_vreg.gather [hbm4b:s2+s3], $0x80, v3, vm0, $0xb8;
	[tilespmem:$0xC200] =	vst v63  }
0x62: {  	s0 =	simm.s32 $0xB200  }
0x63: {  	[tilespmem:s0], [sflag:$0x1] =	stream.indirect_vreg.gather [hbm4b:s5+s3], $0x80, v3, vm0, $0xb8;
	[tilespmem:$0xC200] =	vst v63  }
0x64: {  	s10 =	simm.s32 $0xBA00  }
0x65: {  	[tilespmem:s10], [sflag:$0x1] =	stream.indirect_vreg.gather [hbm4b:s6+s3], $0x80, v3, vm0, $0xb8;
	[tilespmem:$0xC200] =	vst v63  }
0x66: {  	_ =	swait.ge [sflag:s4], $0xC000  }
0x67: {  	[sflag:s4] =	ssyncset.done $0x0  }
0x68: {  	s10 =	rddreg [dreg:$0x7];
	[sflag:s4] =	ssyncadd.s32 $0xFFFF4000  }
0x69: {  	[hbm4b:s10+s3] =	stream.linear.scatter [tilespmem:s9], [sflag:$0x2], $0xC000, $0x38;
	[tilespmem:$0xC200] =	vst v63  }
0x6a: {  	_ =	swait.ge [sflag:s8], $0xC000  }
0x6b: {  	[sflag:s8] =	ssyncset.done $0x0  }
0x6c: {  	[sflag:s8] =	ssyncadd.s32 $0xFFFF4000  }
0x6d: {  	v3 =	vld [tilespmem:$0x80];
	_ =	sdelay $0x4  }
0x6e: {  	v52 =	vshrl.u32 v3, $0x3  }
0x6f: {  	v4 =	vmul.u32 $0x30, v52  }
0x70: {  	v3 =	vand.u32 $0x7, v3  }
0x71: {  	v3 =	vor.u32 v3, v4  }
0x72: {  	v4 =	vperm.xlane v3, v0;
	_ =	sdelay $0x1  }
0x73: {  	v4 =	vadd.s32 v1, v4;
	_ =	sdelay $0x3  }
0x74: {  	v3 =	vperm.xlane v3, v2  }
0x75: {  	[tilespmem:s9], [sflag:$0x1] =	stream.indirect_vreg.gather [hbm4b:s2+s3], $0x80, v4, vm0, $0xb8;
	[tilespmem:$0xC200] =	vst v63  }
0x76: {  	v3 =	vadd.s32 v1, v3  }
0x77: {  	[tilespmem:s11], [sflag:$0x1] =	stream.indirect_vreg.gather [hbm4b:s5+s3], $0x80, v4, vm0, $0xb8;
	[tilespmem:$0xC200] =	vst v63  }
0x78: {  	_ = 	snop  }
0x79: {  	[tilespmem:s12], [sflag:$0x1] =	stream.indirect_vreg.gather [hbm4b:s6+s3], $0x80, v4, vm0, $0xb8;
	[tilespmem:$0xC200] =	vst v63  }
0x7a: {  	_ = 	snop  }
0x7b: {  	[tilespmem:s13], [sflag:$0x1] =	stream.indirect_vreg.gather [hbm4b:s2+s3], $0x80, v3, vm0, $0xb8;
	[tilespmem:$0xC200] =	vst v63  }
0x7c: {  	_ = 	snop  }
0x7d: {  	[tilespmem:s14], [sflag:$0x1] =	stream.indirect_vreg.gather [hbm4b:s5+s3], $0x80, v3, vm0, $0xb8;
	[tilespmem:$0xC200] =	vst v63  }
0x7e: {  	_ = 	snop  }
0x7f: {  	[tilespmem:s15], [sflag:$0x1] =	stream.indirect_vreg.gather [hbm4b:s6+s3], $0x80, v3, vm0, $0xb8;
	[tilespmem:$0xC200] =	vst v63  }
0x80: {  	v3 =	vld [tilespmem:$0x90];
	_ =	sdelay $0x4  }
0x81: {  	v53 =	vshrl.u32 v3, $0x3  }
0x82: {  	v4 =	vmul.u32 $0x30, v53  }
0x83: {  	v3 =	vand.u32 $0x7, v3  }
0x84: {  	v3 =	vor.u32 v3, v4  }
0x85: {  	v4 =	vperm.xlane v3, v0;
	_ =	sdelay $0x1  }
0x86: {  	v4 =	vadd.s32 v1, v4;
	_ =	sdelay $0x3  }
0x87: {  	v3 =	vperm.xlane v3, v2  }
0x88: {  	[tilespmem:s16], [sflag:$0x1] =	stream.indirect_vreg.gather [hbm4b:s2+s3], $0x80, v4, vm0, $0xb8;
	[tilespmem:$0xC200] =	vst v63  }
0x89: {  	v3 =	vadd.s32 v1, v3  }
0x8a: {  	[tilespmem:s17], [sflag:$0x1] =	stream.indirect_vreg.gather [hbm4b:s5+s3], $0x80, v4, vm0, $0xb8;
	[tilespmem:$0xC200] =	vst v63  }
0x8b: {  	_ = 	snop  }
0x8c: {  	[tilespmem:s18], [sflag:$0x1] =	stream.indirect_vreg.gather [hbm4b:s6+s3], $0x80, v4, vm0, $0xb8;
	[tilespmem:$0xC200] =	vst v63  }
0x8d: {  	_ = 	snop  }
0x8e: {  	[tilespmem:s19], [sflag:$0x1] =	stream.indirect_vreg.gather [hbm4b:s2+s3], $0x80, v3, vm0, $0xb8;
	[tilespmem:$0xC200] =	vst v63  }
0x8f: {  	_ = 	snop  }
0x90: {  	[tilespmem:s20], [sflag:$0x1] =	stream.indirect_vreg.gather [hbm4b:s5+s3], $0x80, v3, vm0, $0xb8;
	[tilespmem:$0xC200] =	vst v63  }
0x91: {  	_ = 	snop  }
0x92: {  	[tilespmem:s21], [sflag:$0x1] =	stream.indirect_vreg.gather [hbm4b:s6+s3], $0x80, v3, vm0, $0xb8;
	[tilespmem:$0xC200] =	vst v63  }
0x93: {  	v3 =	vld [tilespmem:$0xA0];
	_ =	sdelay $0x4  }
0x94: {  	v54 =	vshrl.u32 v3, $0x3  }
0x95: {  	v4 =	vmul.u32 $0x30, v54  }
0x96: {  	v3 =	vand.u32 $0x7, v3  }
0x97: {  	v3 =	vor.u32 v3, v4  }
0x98: {  	v4 =	vperm.xlane v3, v0;
	_ =	sdelay $0x1  }
0x99: {  	v4 =	vadd.s32 v1, v4;
	_ =	sdelay $0x3  }
0x9a: {  	v3 =	vperm.xlane v3, v2  }
0x9b: {  	[tilespmem:s22], [sflag:$0x1] =	stream.indirect_vreg.gather [hbm4b:s2+s3], $0x80, v4, vm0, $0xb8;
	[tilespmem:$0xC200] =	vst v63  }
0x9c: {  	v3 =	vadd.s32 v1, v3  }
0x9d: {  	[tilespmem:s23], [sflag:$0x1] =	stream.indirect_vreg.gather [hbm4b:s5+s3], $0x80, v4, vm0, $0xb8;
	[tilespmem:$0xC200] =	vst v63  }
0x9e: {  	_ = 	snop  }
0x9f: {  	[tilespmem:s24], [sflag:$0x1] =	stream.indirect_vreg.gather [hbm4b:s6+s3], $0x80, v4, vm0, $0xb8;
	[tilespmem:$0xC200] =	vst v63  }
0xa0: {  	_ = 	snop  }
0xa1: {  	[tilespmem:s25], [sflag:$0x1] =	stream.indirect_vreg.gather [hbm4b:s2+s3], $0x80, v3, vm0, $0xb8;
	[tilespmem:$0xC200] =	vst v63  }
0xa2: {  	_ = 	snop  }
0xa3: {  	[tilespmem:s26], [sflag:$0x1] =	stream.indirect_vreg.gather [hbm4b:s5+s3], $0x80, v3, vm0, $0xb8;
	[tilespmem:$0xC200] =	vst v63  }
0xa4: {  	_ = 	snop  }
0xa5: {  	[tilespmem:s28], [sflag:$0x1] =	stream.indirect_vreg.gather [hbm4b:s6+s3], $0x80, v3, vm0, $0xb8;
	[tilespmem:$0xC200] =	vst v63  }
0xa6: {  	v3 =	vld [tilespmem:$0xB0];
	_ =	sdelay $0x4  }
0xa7: {  	v55 =	vshrl.u32 v3, $0x3  }
0xa8: {  	v4 =	vmul.u32 $0x30, v55  }
0xa9: {  	v3 =	vand.u32 $0x7, v3  }
0xaa: {  	v3 =	vor.u32 v3, v4  }
0xab: {  	v4 =	vperm.xlane v3, v0;
	_ =	sdelay $0x1  }
0xac: {  	v4 =	vadd.s32 v1, v4;
	_ =	sdelay $0x3  }
0xad: {  	v3 =	vperm.xlane v3, v2  }
0xae: {  	[tilespmem:s29], [sflag:$0x1] =	stream.indirect_vreg.gather [hbm4b:s2+s3], $0x80, v4, vm0, $0xb8;
	[tilespmem:$0xC200] =	vst v63  }
0xaf: {  	v3 =	vadd.s32 v1, v3  }
0xb0: {  	[tilespmem:s30], [sflag:$0x1] =	stream.indirect_vreg.gather [hbm4b:s5+s3], $0x80, v4, vm0, $0xb8;
	[tilespmem:$0xC200] =	vst v63  }
0xb1: {  	_ = 	snop  }
0xb2: {  	[tilespmem:s31], [sflag:$0x1] =	stream.indirect_vreg.gather [hbm4b:s6+s3], $0x80, v4, vm0, $0xb8;
	[tilespmem:$0xC200] =	vst v63  }
0xb3: {  	_ = 	snop  }
0xb4: {  	[tilespmem:s1], [sflag:$0x1] =	stream.indirect_vreg.gather [hbm4b:s2+s3], $0x80, v3, vm0, $0xb8;
	[tilespmem:$0xC200] =	vst v63  }
0xb5: {  	_ = 	snop  }
0xb6: {  	[tilespmem:s0], [sflag:$0x1] =	stream.indirect_vreg.gather [hbm4b:s5+s3], $0x80, v3, vm0, $0xb8;
	[tilespmem:$0xC200] =	vst v63  }
0xb7: {  	s10 =	simm.s32 $0xBA00  }
0xb8: {  	[tilespmem:s10], [sflag:$0x1] =	stream.indirect_vreg.gather [hbm4b:s6+s3], $0x80, v3, vm0, $0xb8;
	[tilespmem:$0xC200] =	vst v63  }
0xb9: {  	_ =	swait.ge [sflag:s4], $0xC000  }
0xba: {  	[sflag:s4] =	ssyncset.done $0x0  }
0xbb: {  	s10 =	rddreg [dreg:$0x4];
	[sflag:s4] =	ssyncadd.s32 $0xFFFF4000  }
0xbc: {  	[hbm4b:s10+s3] =	stream.linear.scatter [tilespmem:s9], [sflag:$0x2], $0xC000, $0x38;
	[tilespmem:$0xC200] =	vst v63  }
0xbd: {  	_ =	swait.ge [sflag:s8], $0xC000  }
0xbe: {  	[sflag:s8] =	ssyncset.done $0x0  }
0xbf: {  	[sflag:s8] =	ssyncadd.s32 $0xFFFF4000  }
0xc0: {  	v3 =	vld [tilespmem:$0x100];
	_ =	sdelay $0x4  }
0xc1: {  	v56 =	vshrl.u32 v3, $0x3  }
0xc2: {  	v4 =	vmul.u32 $0x30, v56  }
0xc3: {  	v3 =	vand.u32 $0x7, v3  }
0xc4: {  	v3 =	vor.u32 v3, v4  }
0xc5: {  	v4 =	vperm.xlane v3, v0;
	_ =	sdelay $0x1  }
0xc6: {  	v4 =	vadd.s32 v1, v4;
	_ =	sdelay $0x3  }
0xc7: {  	v3 =	vperm.xlane v3, v2  }
0xc8: {  	[tilespmem:s9], [sflag:$0x1] =	stream.indirect_vreg.gather [hbm4b:s2+s3], $0x80, v4, vm0, $0xb8;
	[tilespmem:$0xC200] =	vst v63  }
0xc9: {  	v3 =	vadd.s32 v1, v3  }
0xca: {  	[tilespmem:s11], [sflag:$0x1] =	stream.indirect_vreg.gather [hbm4b:s5+s3], $0x80, v4, vm0, $0xb8;
	[tilespmem:$0xC200] =	vst v63  }
0xcb: {  	_ = 	snop  }
0xcc: {  	[tilespmem:s12], [sflag:$0x1] =	stream.indirect_vreg.gather [hbm4b:s6+s3], $0x80, v4, vm0, $0xb8;
	[tilespmem:$0xC200] =	vst v63  }
0xcd: {  	_ = 	snop  }
0xce: {  	[tilespmem:s13], [sflag:$0x1] =	stream.indirect_vreg.gather [hbm4b:s2+s3], $0x80, v3, vm0, $0xb8;
	[tilespmem:$0xC200] =	vst v63  }
0xcf: {  	_ = 	snop  }
0xd0: {  	[tilespmem:s14], [sflag:$0x1] =	stream.indirect_vreg.gather [hbm4b:s5+s3], $0x80, v3, vm0, $0xb8;
	[tilespmem:$0xC200] =	vst v63  }
0xd1: {  	_ = 	snop  }
0xd2: {  	[tilespmem:s15], [sflag:$0x1] =	stream.indirect_vreg.gather [hbm4b:s6+s3], $0x80, v3, vm0, $0xb8;
	[tilespmem:$0xC200] =	vst v63  }
0xd3: {  	v3 =	vld [tilespmem:$0x110];
	_ =	sdelay $0x4  }
0xd4: {  	v57 =	vshrl.u32 v3, $0x3  }
0xd5: {  	v4 =	vmul.u32 $0x30, v57  }
0xd6: {  	v3 =	vand.u32 $0x7, v3  }
0xd7: {  	v3 =	vor.u32 v3, v4  }
0xd8: {  	v4 =	vperm.xlane v3, v0;
	_ =	sdelay $0x1  }
0xd9: {  	v4 =	vadd.s32 v1, v4;
	_ =	sdelay $0x3  }
0xda: {  	v3 =	vperm.xlane v3, v2  }
0xdb: {  	[tilespmem:s16], [sflag:$0x1] =	stream.indirect_vreg.gather [hbm4b:s2+s3], $0x80, v4, vm0, $0xb8;
	[tilespmem:$0xC200] =	vst v63  }
0xdc: {  	v3 =	vadd.s32 v1, v3  }
0xdd: {  	[tilespmem:s17], [sflag:$0x1] =	stream.indirect_vreg.gather [hbm4b:s5+s3], $0x80, v4, vm0, $0xb8;
	[tilespmem:$0xC200] =	vst v63  }
0xde: {  	_ = 	snop  }
0xdf: {  	[tilespmem:s18], [sflag:$0x1] =	stream.indirect_vreg.gather [hbm4b:s6+s3], $0x80, v4, vm0, $0xb8;
	[tilespmem:$0xC200] =	vst v63  }
0xe0: {  	_ = 	snop  }
0xe1: {  	[tilespmem:s19], [sflag:$0x1] =	stream.indirect_vreg.gather [hbm4b:s2+s3], $0x80, v3, vm0, $0xb8;
	[tilespmem:$0xC200] =	vst v63  }
0xe2: {  	_ = 	snop  }
0xe3: {  	[tilespmem:s20], [sflag:$0x1] =	stream.indirect_vreg.gather [hbm4b:s5+s3], $0x80, v3, vm0, $0xb8;
	[tilespmem:$0xC200] =	vst v63  }
0xe4: {  	_ = 	snop  }
0xe5: {  	[tilespmem:s21], [sflag:$0x1] =	stream.indirect_vreg.gather [hbm4b:s6+s3], $0x80, v3, vm0, $0xb8;
	[tilespmem:$0xC200] =	vst v63  }
0xe6: {  	v3 =	vld [tilespmem:$0x120];
	_ =	sdelay $0x4  }
0xe7: {  	v58 =	vshrl.u32 v3, $0x3  }
0xe8: {  	v4 =	vmul.u32 $0x30, v58  }
0xe9: {  	v3 =	vand.u32 $0x7, v3  }
0xea: {  	v3 =	vor.u32 v3, v4  }
0xeb: {  	v4 =	vperm.xlane v3, v0;
	_ =	sdelay $0x1  }
0xec: {  	v4 =	vadd.s32 v1, v4;
	_ =	sdelay $0x3  }
0xed: {  	v3 =	vperm.xlane v3, v2  }
0xee: {  	[tilespmem:s22], [sflag:$0x1] =	stream.indirect_vreg.gather [hbm4b:s2+s3], $0x80, v4, vm0, $0xb8;
	[tilespmem:$0xC200] =	vst v63  }
0xef: {  	v3 =	vadd.s32 v1, v3  }
0xf0: {  	[tilespmem:s23], [sflag:$0x1] =	stream.indirect_vreg.gather [hbm4b:s5+s3], $0x80, v4, vm0, $0xb8;
	[tilespmem:$0xC200] =	vst v63  }
0xf1: {  	_ = 	snop  }
0xf2: {  	[tilespmem:s24], [sflag:$0x1] =	stream.indirect_vreg.gather [hbm4b:s6+s3], $0x80, v4, vm0, $0xb8;
	[tilespmem:$0xC200] =	vst v63  }
0xf3: {  	_ = 	snop  }
0xf4: {  	[tilespmem:s25], [sflag:$0x1] =	stream.indirect_vreg.gather [hbm4b:s2+s3], $0x80, v3, vm0, $0xb8;
	[tilespmem:$0xC200] =	vst v63  }
0xf5: {  	_ = 	snop  }
0xf6: {  	[tilespmem:s26], [sflag:$0x1] =	stream.indirect_vreg.gather [hbm4b:s5+s3], $0x80, v3, vm0, $0xb8;
	[tilespmem:$0xC200] =	vst v63  }
0xf7: {  	_ = 	snop  }
0xf8: {  	[tilespmem:s28], [sflag:$0x1] =	stream.indirect_vreg.gather [hbm4b:s6+s3], $0x80, v3, vm0, $0xb8;
	[tilespmem:$0xC200] =	vst v63  }
0xf9: {  	v3 =	vld [tilespmem:$0x130];
	_ =	sdelay $0x4  }
0xfa: {  	v59 =	vshrl.u32 v3, $0x3  }
0xfb: {  	v4 =	vmul.u32 $0x30, v59  }
0xfc: {  	v3 =	vand.u32 $0x7, v3  }
0xfd: {  	v3 =	vor.u32 v3, v4  }
0xfe: {  	v4 =	vperm.xlane v3, v0;
	_ =	sdelay $0x1  }
0xff: {  	v4 =	vadd.s32 v1, v4;
	_ =	sdelay $0x3  }
0x100: {  	v3 =	vperm.xlane v3, v2  }
0x101: {  	[tilespmem:s29], [sflag:$0x1] =	stream.indirect_vreg.gather [hbm4b:s2+s3], $0x80, v4, vm0, $0xb8;
	[tilespmem:$0xC200] =	vst v63  }
0x102: {  	v3 =	vadd.s32 v1, v3  }
0x103: {  	[tilespmem:s30], [sflag:$0x1] =	stream.indirect_vreg.gather [hbm4b:s5+s3], $0x80, v4, vm0, $0xb8;
	[tilespmem:$0xC200] =	vst v63  }
0x104: {  	_ = 	snop  }
0x105: {  	[tilespmem:s31], [sflag:$0x1] =	stream.indirect_vreg.gather [hbm4b:s6+s3], $0x80, v4, vm0, $0xb8;
	[tilespmem:$0xC200] =	vst v63  }
0x106: {  	_ = 	snop  }
0x107: {  	[tilespmem:s1], [sflag:$0x1] =	stream.indirect_vreg.gather [hbm4b:s2+s3], $0x80, v3, vm0, $0xb8;
	[tilespmem:$0xC200] =	vst v63  }
0x108: {  	_ = 	snop  }
0x109: {  	[tilespmem:s0], [sflag:$0x1] =	stream.indirect_vreg.gather [hbm4b:s5+s3], $0x80, v3, vm0, $0xb8;
	[tilespmem:$0xC200] =	vst v63  }
0x10a: {  	s10 =	simm.s32 $0xBA00  }
0x10b: {  	[tilespmem:s10], [sflag:$0x1] =	stream.indirect_vreg.gather [hbm4b:s6+s3], $0x80, v3, vm0, $0xb8;
	[tilespmem:$0xC200] =	vst v63  }
0x10c: {  	_ =	swait.ge [sflag:s4], $0xC000  }
0x10d: {  	[sflag:s4] =	ssyncset.done $0x0  }
0x10e: {  	s10 =	rddreg [dreg:$0x5];
	[sflag:s4] =	ssyncadd.s32 $0xFFFF4000  }
0x10f: {  	[hbm4b:s10+s3] =	stream.linear.scatter [tilespmem:s9], [sflag:$0x2], $0xC000, $0x38;
	[tilespmem:$0xC200] =	vst v63  }
0x110: {  	_ =	swait.ge [sflag:s8], $0xC000  }
0x111: {  	[sflag:s8] =	ssyncset.done $0x0  }
0x112: {  	[sflag:s8] =	ssyncadd.s32 $0xFFFF4000  }
0x113: {  	v3 =	vld [tilespmem:$0x180];
	_ =	sdelay $0x4  }
0x114: {  	v60 =	vshrl.u32 v3, $0x3  }
0x115: {  	v4 =	vmul.u32 $0x30, v60  }
0x116: {  	v3 =	vand.u32 $0x7, v3  }
0x117: {  	v3 =	vor.u32 v3, v4  }
0x118: {  	v4 =	vperm.xlane v3, v0;
	_ =	sdelay $0x1  }
0x119: {  	v4 =	vadd.s32 v1, v4;
	_ =	sdelay $0x3  }
0x11a: {  	v3 =	vperm.xlane v3, v2  }
0x11b: {  	[tilespmem:s9], [sflag:$0x1] =	stream.indirect_vreg.gather [hbm4b:s2+s3], $0x80, v4, vm0, $0xb8;
	[tilespmem:$0xC200] =	vst v63  }
0x11c: {  	v3 =	vadd.s32 v1, v3  }
0x11d: {  	[tilespmem:s11], [sflag:$0x1] =	stream.indirect_vreg.gather [hbm4b:s5+s3], $0x80, v4, vm0, $0xb8;
	[tilespmem:$0xC200] =	vst v63  }
0x11e: {  	_ = 	snop  }
0x11f: {  	[tilespmem:s12], [sflag:$0x1] =	stream.indirect_vreg.gather [hbm4b:s6+s3], $0x80, v4, vm0, $0xb8;
	[tilespmem:$0xC200] =	vst v63  }
0x120: {  	_ = 	snop  }
0x121: {  	[tilespmem:s13], [sflag:$0x1] =	stream.indirect_vreg.gather [hbm4b:s2+s3], $0x80, v3, vm0, $0xb8;
	[tilespmem:$0xC200] =	vst v63  }
0x122: {  	_ = 	snop  }
0x123: {  	[tilespmem:s14], [sflag:$0x1] =	stream.indirect_vreg.gather [hbm4b:s5+s3], $0x80, v3, vm0, $0xb8;
	[tilespmem:$0xC200] =	vst v63  }
0x124: {  	_ = 	snop  }
0x125: {  	[tilespmem:s15], [sflag:$0x1] =	stream.indirect_vreg.gather [hbm4b:s6+s3], $0x80, v3, vm0, $0xb8;
	[tilespmem:$0xC200] =	vst v63  }
0x126: {  	v3 =	vld [tilespmem:$0x190];
	_ =	sdelay $0x4  }
0x127: {  	v61 =	vshrl.u32 v3, $0x3  }
0x128: {  	v4 =	vmul.u32 $0x30, v61  }
0x129: {  	v3 =	vand.u32 $0x7, v3  }
0x12a: {  	v3 =	vor.u32 v3, v4  }
0x12b: {  	v4 =	vperm.xlane v3, v0;
	_ =	sdelay $0x1  }
0x12c: {  	v4 =	vadd.s32 v1, v4;
	_ =	sdelay $0x3  }
0x12d: {  	v3 =	vperm.xlane v3, v2  }
0x12e: {  	[tilespmem:s16], [sflag:$0x1] =	stream.indirect_vreg.gather [hbm4b:s2+s3], $0x80, v4, vm0, $0xb8;
	[tilespmem:$0xC200] =	vst v63  }
0x12f: {  	v3 =	vadd.s32 v1, v3  }
0x130: {  	[tilespmem:s17], [sflag:$0x1] =	stream.indirect_vreg.gather [hbm4b:s5+s3], $0x80, v4, vm0, $0xb8;
	[tilespmem:$0xC200] =	vst v63  }
0x131: {  	_ = 	snop  }
0x132: {  	[tilespmem:s18], [sflag:$0x1] =	stream.indirect_vreg.gather [hbm4b:s6+s3], $0x80, v4, vm0, $0xb8;
	[tilespmem:$0xC200] =	vst v63  }
0x133: {  	_ = 	snop  }
0x134: {  	[tilespmem:s19], [sflag:$0x1] =	stream.indirect_vreg.gather [hbm4b:s2+s3], $0x80, v3, vm0, $0xb8;
	[tilespmem:$0xC200] =	vst v63  }
0x135: {  	_ = 	snop  }
0x136: {  	[tilespmem:s20], [sflag:$0x1] =	stream.indirect_vreg.gather [hbm4b:s5+s3], $0x80, v3, vm0, $0xb8;
	[tilespmem:$0xC200] =	vst v63  }
0x137: {  	_ = 	snop  }
0x138: {  	[tilespmem:s21], [sflag:$0x1] =	stream.indirect_vreg.gather [hbm4b:s6+s3], $0x80, v3, vm0, $0xb8;
	[tilespmem:$0xC200] =	vst v63  }
0x139: {  	v3 =	vld [tilespmem:$0x1A0];
	_ =	sdelay $0x4  }
0x13a: {  	v62 =	vshrl.u32 v3, $0x3  }
0x13b: {  	v4 =	vmul.u32 $0x30, v62  }
0x13c: {  	v3 =	vand.u32 $0x7, v3  }
0x13d: {  	v3 =	vor.u32 v3, v4  }
0x13e: {  	v4 =	vperm.xlane v3, v0;
	_ =	sdelay $0x1  }
0x13f: {  	v4 =	vadd.s32 v1, v4;
	_ =	sdelay $0x3  }
0x140: {  	v3 =	vperm.xlane v3, v2  }
0x141: {  	[tilespmem:s22], [sflag:$0x1] =	stream.indirect_vreg.gather [hbm4b:s2+s3], $0x80, v4, vm0, $0xb8;
	[tilespmem:$0xC200] =	vst v63  }
0x142: {  	v3 =	vadd.s32 v1, v3  }
0x143: {  	[tilespmem:s23], [sflag:$0x1] =	stream.indirect_vreg.gather [hbm4b:s5+s3], $0x80, v4, vm0, $0xb8;
	[tilespmem:$0xC200] =	vst v63  }
0x144: {  	_ = 	snop  }
0x145: {  	[tilespmem:s24], [sflag:$0x1] =	stream.indirect_vreg.gather [hbm4b:s6+s3], $0x80, v4, vm0, $0xb8;
	[tilespmem:$0xC200] =	vst v63  }
0x146: {  	_ = 	snop  }
0x147: {  	[tilespmem:s25], [sflag:$0x1] =	stream.indirect_vreg.gather [hbm4b:s2+s3], $0x80, v3, vm0, $0xb8;
	[tilespmem:$0xC200] =	vst v63  }
0x148: {  	_ = 	snop  }
0x149: {  	[tilespmem:s26], [sflag:$0x1] =	stream.indirect_vreg.gather [hbm4b:s5+s3], $0x80, v3, vm0, $0xb8;
	[tilespmem:$0xC200] =	vst v63  }
0x14a: {  	_ = 	snop  }
0x14b: {  	[tilespmem:s28], [sflag:$0x1] =	stream.indirect_vreg.gather [hbm4b:s6+s3], $0x80, v3, vm0, $0xb8;
	[tilespmem:$0xC200] =	vst v63  }
0x14c: {  	v3 =	vld [tilespmem:$0x1B0];
	_ =	sdelay $0x4  }
0x14d: {  	v63 =	vshrl.u32 v3, $0x3  }
0x14e: {  	v4 =	vmul.u32 $0x30, v63  }
0x14f: {  	v3 =	vand.u32 $0x7, v3  }
0x150: {  	v3 =	vor.u32 v3, v4  }
0x151: {  	v4 =	vperm.xlane v3, v0;
	_ =	sdelay $0x1  }
0x152: {  	v4 =	vadd.s32 v1, v4;
	_ =	sdelay $0x3  }
0x153: {  	v3 =	vperm.xlane v3, v2  }
0x154: {  	[tilespmem:s29], [sflag:$0x1] =	stream.indirect_vreg.gather [hbm4b:s2+s3], $0x80, v4, vm0, $0xb8;
	[tilespmem:$0xC200] =	vst v63  }
0x155: {  	v3 =	vadd.s32 v1, v3  }
0x156: {  	[tilespmem:s30], [sflag:$0x1] =	stream.indirect_vreg.gather [hbm4b:s5+s3], $0x80, v4, vm0, $0xb8;
	[tilespmem:$0xC200] =	vst v63  }
0x157: {  	_ = 	snop  }
0x158: {  	[tilespmem:s31], [sflag:$0x1] =	stream.indirect_vreg.gather [hbm4b:s6+s3], $0x80, v4, vm0, $0xb8;
	[tilespmem:$0xC200] =	vst v63  }
0x159: {  	_ = 	snop  }
0x15a: {  	[tilespmem:s1], [sflag:$0x1] =	stream.indirect_vreg.gather [hbm4b:s2+s3], $0x80, v3, vm0, $0xb8;
	[tilespmem:$0xC200] =	vst v63  }
0x15b: {  	_ = 	snop  }
0x15c: {  	[tilespmem:s0], [sflag:$0x1] =	stream.indirect_vreg.gather [hbm4b:s5+s3], $0x80, v3, vm0, $0xb8;
	[tilespmem:$0xC200] =	vst v63  }
0x15d: {  	s10 =	simm.s32 $0xBA00  }
0x15e: {  	[tilespmem:s10], [sflag:$0x1] =	stream.indirect_vreg.gather [hbm4b:s6+s3], $0x80, v3, vm0, $0xb8;
	[tilespmem:$0xC200] =	vst v63  }
0x15f: {  	_ =	swait.ge [sflag:s4], $0xC000  }
0x160: {  	p0 =	sne.s32 s7, $0x1;
	[sflag:s4] =	ssyncset.done $0x0  }
.Ltmp0:
0x161: {  	s0 =	rddreg [dreg:$0x6];
	[sflag:s4] =	ssyncadd.s32 $0xFFFF4000;
	(pc) =	sbr.rel @p0 .LBB2_1-.Ltmp0, $4  }
0x162: {  	[hbm4b:s0+s3] =	stream.linear.scatter [tilespmem:s9], [sflag:$0x2], $0xC000, $0x38;
	[tilespmem:$0xC200] =	vst v63  }
0x163: {  	_ =	swait.ge [sflag:s8], $0xC000  }
0x164: {  	[sflag:s8] =	ssyncset.done $0x0  }
0x165: {  	s7 =	sadd.s32 $0xFFFFFFFF, s7;
	[sflag:s8] =	ssyncadd.s32 $0xFFFF4000  }
0x166: {  	_ =	sfence.sel $0x180000  }
0x167: {  	[bflag:$0x0] =	sbarrier.arrive $0xFFFF  }
0x168: {  	_ =	strace $0x90000047  }
0x169: {  	s0 =	stileid.u32;
	[bflag:$0x2] =	sbarrier.arrive $0xFFFF  }
0x16a: {  	p0 =	sne.s32 s0, $0x0;
	s0 =	rddreg [dreg:$0x2]  }
0x16b: {  	s0 =	sadd.s32 @!p0 $0x100000, s0  }
0x16c: {  	[sflag:s0] =	ssyncadd.tile.s32 @!p0 $0x1;
	_ =	shalt  }
.Lfunc_end2:
_tile_overlayer_lowered:
.L_overlay_start_2:
0x16d: {  	(tag) =	ssettag $0x2  }
0x16e: {  	s0 =	rddreg [dreg:$0x0];
	s2 =	stileid.u32  }
0x16f: {  	s1 =	rddreg [dreg:$0x1];
	p0 =	sne.s32 s2, $0x0  }
0x170: {  	s3 =	rddreg [dreg:$0x2];
	[bflag:$0x3] =	sbarrier.arrive $0xFFFF;
	s2 =	simm.s32 @!p0 $0x1C02  }
0x171: {  	[timem:s3], [sflag:s2] =	dma.local @!p0 [hbm:s0], s1  }
0x172: {  	s0 =	simm.s32 @!p0 $0x2  }
0x173: {  	_ =	swait.ge @!p0 [sflag:s0], s1  }
0x174: {  	s1 =	ssub.s32 @!p0 $0x0, s1;
	[sflag:s0] =	ssyncset.done @!p0 $0x0  }
0x175: {  	[sflag:s0] =	ssyncadd.s32 @!p0 s1  }
0x176: {  	[bflag:$0x3] =	sbarrier.arrive $0xFFFF  }
0x177: {  	_ =	shalt  }

</sc_bundles>
